<compile_context>
chip_gen: v7x
topology: tpu7x:2x2x1
jax: 0.10.2.dev20260603
libtpu: 0.0.44.dev20260713+nightly
codegen_flags: <defaults>
</compile_context>

<pallas_src>
import functools

import jax
import jax.numpy as jnp
import numpy as np
from jax import lax
from jax.experimental import pallas as pl
from jax.experimental.pallas import tpu as pltpu
from jax.experimental.pallas import tpu_sc as plsc

D_MODEL = 64
MIN_FREQ = 1e-4


def _hi14(x):
    f = np.float32(x)
    bits = f.view(np.int32) & np.int32(~0x3FF)
    return float(np.int32(bits).view(np.float32))


_TWO_OVER_PI = float(np.float32(2.0 / np.pi))
_MAGIC = 12582912.0
_T_FULL = 1024.0 * (np.pi / 2.0)
_TA = _hi14(_T_FULL)
_TB = _hi14(_T_FULL - _TA)
_TC = float(np.float32(_T_FULL - _TA - _TB))
_C_FULL = np.pi / 2.0
_CA = _hi14(_C_FULL)
_CB = _hi14(_C_FULL - _CA)
_CC = float(np.float32(_C_FULL - _CA - _CB))
_S3, _S5, _S7, _S9 = (-1.0 / 6.0, 1.0 / 120.0, -1.0 / 5040.0, 1.0 / 362880.0)
_C2, _C4, _C6, _C8 = (-0.5, 1.0 / 24.0, -1.0 / 720.0, 1.0 / 40320.0)


def _sincos_lanes(ang, par):
    w = ang * _TWO_OVER_PI
    qf = (w + _MAGIC) - _MAGIC
    qi = qf.astype(jnp.int32)
    qh = (qi >> 10).astype(jnp.float32)
    ql = (qi & 1023).astype(jnp.float32)
    r = ang - qh * _TA
    r = r - ql * _CA
    r = r - qh * _TB
    r = r - ql * _CB
    r = r - qh * _TC
    r = r - ql * _CC
    m = (qi + par) & 3
    r2 = r * r
    ps = r * (1.0 + r2 * (_S3 + r2 * (_S5 + r2 * (_S7 + r2 * _S9))))
    pc = 1.0 + r2 * (_C2 + r2 * (_C4 + r2 * (_C6 + r2 * _C8)))
    val = jnp.where((m & 1) == 1, pc, ps)
    sgn = (m & 2) << 30
    bits = lax.bitcast_convert_type(val, jnp.int32) ^ sgn
    return lax.bitcast_convert_type(bits, jnp.float32)


def _make_sc_gather(n_total):
    info = plsc.get_sparse_core_info()
    nw = info.num_cores * info.num_subcores
    assert n_total % nw == 0
    chunk = n_total // nw
    assert chunk % 8 == 0

    mesh = plsc.VectorSubcoreMesh(core_axis_name="c", subcore_axis_name="s")

    @functools.partial(
        pl.kernel,
        mesh=mesh,
        out_type=[
            jax.ShapeDtypeStruct((n_total,), jnp.float32),
            jax.ShapeDtypeStruct((n_total,), jnp.int32),
        ],
        scratch_types=[
            pltpu.VMEM((chunk,), jnp.int32),
            pltpu.VMEM((chunk,), jnp.float32),
            pltpu.VMEM((chunk,), jnp.int32),
            pltpu.SemaphoreType.DMA,
            pltpu.SemaphoreType.DMA,
        ],
    )
    def sc_gather(x_hbm, ptab_hbm, ctab_hbm, pos_hbm, cid_hbm,
                  idx_v, pos_v, cid_v, sem_p, sem_c):
        wid = lax.axis_index("s") * info.num_cores + lax.axis_index("c")
        base = wid * chunk
        pltpu.sync_copy(x_hbm.at[pl.ds(base, chunk)], idx_v)
        cp_p = pltpu.async_copy(ptab_hbm.at[idx_v], pos_v, sem_p)
        cp_c = pltpu.async_copy(ctab_hbm.at[idx_v], cid_v, sem_c)
        cp_p.wait()
        cp_c.wait()
        pltpu.sync_copy(pos_v, pos_hbm.at[pl.ds(base, chunk)])
        pltpu.sync_copy(cid_v, cid_hbm.at[pl.ds(base, chunk)])

    return sc_gather


def _encode_body(ba, n_chroms, pos_ref, cid_ref, freqs2_ref, tab2_ref, out_ref):
    ll = pos_ref.shape[0]
    tab2 = tab2_ref[...]
    freqs2 = freqs2_ref[...]
    pos_blk = pos_ref[...]
    cidf_blk = cid_ref[...].astype(jnp.float32)
    parity = lax.broadcasted_iota(jnp.int32, (1, 2 * D_MODEL), 1) & 1
    half = lax.broadcasted_iota(jnp.int32, (1, 2 * D_MODEL), 1) < D_MODEL
    halfk = lax.broadcasted_iota(jnp.int32, (1, 2 * n_chroms), 1) < n_chroms
    k48 = (lax.broadcasted_iota(jnp.int32, (1, 2 * n_chroms), 1) % n_chroms
           ).astype(jnp.float32)
    ncols = 16

    def step(j, _):
        e8 = (lax.broadcasted_iota(jnp.int32, (ba, ncols), 0)
              == j * ncols + lax.broadcasted_iota(jnp.int32, (ba, ncols), 1)
              ).astype(jnp.float32)
        p8 = lax.dot_general(pos_blk, e8, (((1,), (0,)), ((), ())),
                             precision=lax.Precision.HIGHEST,
                             preferred_element_type=jnp.float32)
        c8 = lax.dot_general(cidf_blk, e8, (((1,), (0,)), ((), ())),
                             preferred_element_type=jnp.float32)
        for g in range(ncols // 2):
            p0 = p8[:, 2 * g:2 * g + 1]
            p1 = p8[:, 2 * g + 1:2 * g + 2]
            p2 = jnp.where(half, p0, p1)
            ang2 = p2 * freqs2
            c0 = c8[:, 2 * g:2 * g + 1]
            c1 = c8[:, 2 * g + 1:2 * g + 2]
            csel = jnp.where(halfk, c0, c1)
            oh2 = (csel == k48).astype(jnp.float32)
            emb2 = lax.dot_general(oh2, tab2, (((1,), (0,)), ((), ())),
                                   preferred_element_type=jnp.float32)
            o2 = emb2 + _sincos_lanes(ang2, parity)
            a_idx = j * ncols + 2 * g
            out_ref[pl.ds(a_idx, 1)] = o2[:, :D_MODEL][None]
            out_ref[pl.ds(a_idx + 1, 1)] = o2[:, D_MODEL:][None]
        return 0

    lax.fori_loop(0, ba // ncols, step, 0)


def _tc_encode(pos_t, cid_t, freqs2, tab2, ba):
    ll, aa = pos_t.shape
    n_chroms = tab2.shape[0] // 2
    assert aa % ba == 0
    grid = (aa // ba,)
    return pl.pallas_call(
        functools.partial(_encode_body, ba, n_chroms),
        grid=grid,
        in_specs=[
            pl.BlockSpec((ll, ba), lambda i: (0, i)),
            pl.BlockSpec((ll, ba), lambda i: (0, i)),
            pl.BlockSpec((1, 2 * D_MODEL), lambda i: (0, 0)),
            pl.BlockSpec((2 * n_chroms, 2 * D_MODEL), lambda i: (0, 0)),
        ],
        out_specs=pl.BlockSpec((ba, ll, D_MODEL), lambda i: (i, 0, 0)),
        out_shape=jax.ShapeDtypeStruct((aa, ll, D_MODEL), jnp.float32),
    )(pos_t, cid_t, freqs2, tab2)


def _freqs_row():
    i = jnp.arange(D_MODEL)
    return (jnp.asarray(MIN_FREQ, jnp.float32)
            ** (2.0 * (i // 2).astype(jnp.float32) / D_MODEL)).reshape(1, D_MODEL)


def kernel(X, positions_table, chroms, chrom_table):
    a, l = X.shape
    n = a * l
    xf = X.T.reshape(n).astype(jnp.int32)
    pos_flat, cid_flat = _make_sc_gather(n)(
        xf, positions_table.astype(jnp.float32), chroms.astype(jnp.int32))
    pos_t = pos_flat.reshape(l, a)
    cid_t = cid_flat.reshape(l, a)
    fr = _freqs_row()
    freqs2 = jnp.concatenate([fr, fr], axis=1)
    nc, d = chrom_table.shape
    z = jnp.zeros((nc, d), jnp.float32)
    tab2 = jnp.concatenate(
        [jnp.concatenate([chrom_table, z], axis=1),
         jnp.concatenate([z, chrom_table], axis=1)], axis=0)
    out = _tc_encode(pos_t, cid_t, freqs2, tab2, ba=128)
    return out

# --- scband reference (transcript-rebuilt; emitter-appended) ---
"""Pipeline reference for scband-fourier-position-embedding-16363825398342 (READ-ONLY COPY).

The authoritative reference and input builder live on the scoring server;
editing this copy changes nothing except your own understanding.
"""

import jax, jax.numpy as jnp
import numpy as np

OUTPUT_DIM = 64
N_POSITIONS = 1000000
N_CHROMS = 24


def positional_encoding(positions, d_model, min_freq=1e-4):
    # Fourier (sinusoidal) encoding: freq_i = min_freq ** (2*(i//2)/d_model)
    i = jnp.arange(d_model)
    freqs = jnp.asarray(min_freq, jnp.float32) ** (2.0 * (i // 2).astype(jnp.float32) / d_model)
    angles = positions[..., None].astype(jnp.float32) * freqs
    enc = jnp.where(i % 2 == 0, jnp.sin(angles), jnp.cos(angles))
    return enc.astype(jnp.float32)


def setup_inputs(seed: int = 0) -> dict:
    key = jax.random.key(seed)
    k1, k2, k3 = jax.random.split(key, 3)
    # frozen position-value table (genomic coordinates), stored as Embedding(N, 1)
    positions_table = jnp.arange(N_POSITIONS, dtype=jnp.float32)
    # per-position chromosome id (sorted, as positions are grouped by chromosome)
    chroms = jnp.sort(jax.random.randint(k1, (N_POSITIONS,), 0, N_CHROMS, dtype=jnp.int64))
    # lookup indices into the position table
    X = jax.random.randint(k2, (4096, 50), 0, N_POSITIONS, dtype=jnp.int64)
    # learned chromosome embedding table
    chrom_table = jax.random.normal(k3, (N_CHROMS, OUTPUT_DIM), dtype=jnp.float32) * 0.05
    return {"X": X, "positions_table": positions_table, "chroms": chroms, "chrom_table": chrom_table}


def reference(X, positions_table, chroms, chrom_table):
    # position_embedder(X): gather frozen position values -> [B, L, 1] -> [B, L]
    pos_vals = jnp.take(positions_table, X, axis=0)
    # get_positional_encoding -> [B, L, output_dim]
    pe = positional_encoding(pos_vals, OUTPUT_DIM, min_freq=1e-4)
    # chroms = tf.gather(self.chroms, X); chrom_embedder(chroms)
    chrom_ids = jnp.take(chroms, X, axis=0)
    chrom_emb = jnp.take(chrom_table, chrom_ids, axis=0)
    # combine_method == 'add'
    return chrom_emb + pe

if __name__ == "__main__":
    import jax
    _d = setup_inputs()
    print(jax.jit(kernel)(*tuple(_d.values())))

</pallas_src>

<mosaic_0001>
#map = affine_map<(d0, d1) -> (0)>
module attributes {stable_mosaic.version = 14 : i64} {
  func.func @sc_gather(%arg0: i32, %arg1: i32, %arg2: memref<204800xi32, #tpu.memory_space<hbm>>, %arg3: memref<1000000xf32, #tpu.memory_space<hbm>>, %arg4: memref<1000000xi32, #tpu.memory_space<hbm>>, %arg5: memref<204800xf32, #tpu.memory_space<hbm>>, %arg6: memref<204800xi32, #tpu.memory_space<hbm>>, %arg7: memref<6400xi32, #tpu.memory_space<vmem>>, %arg8: memref<6400xf32, #tpu.memory_space<vmem>>, %arg9: memref<6400xi32, #tpu.memory_space<vmem>>, %arg10: memref<!tpu.dma_semaphore, #tpu.memory_space<semaphore_mem>>, %arg11: memref<!tpu.dma_semaphore, #tpu.memory_space<semaphore_mem>>) attributes {dimension_semantics = [#tpu.dimension_semantics<core_parallel>, #tpu.dimension_semantics<subcore_parallel>], iteration_bounds = array<i64: 2, 16>, scalar_prefetch = 0 : i64, scratch_operands = 5 : i64, tpu.core_type = #tpu.core_type<sc_vector_subcore>, window_params = [{transform_indices = #map}, {transform_indices = #map}, {transform_indices = #map}, {transform_indices = #map}, {transform_indices = #map}]} {
    %mul3A = arith.constant 2 : i32
    %mul3A_0 = arith.muli %arg1, %mul3A : i32
    %add3A = arith.addi %mul3A_0, %arg0 : i32
    %mul3A_1 = arith.constant 6400 : i32
    %mul3A_2 = arith.muli %add3A, %mul3A_1 : i32
    "tpu.region"() ({
      %run_scoped3A = tpu.sem_alloc : memref<!tpu.dma_semaphore, #tpu.memory_space<semaphore_mem>>
      %dma_start3A_9 = tpu.memref_slice %arg2[%mul3A_2] : memref<204800xi32, #tpu.memory_space<hbm>> -> memref<6400xi32, #tpu.memory_space<hbm>>
      %dma_start3A_10 = tpu.memref_slice %arg2[%mul3A_2] : memref<204800xi32, #tpu.memory_space<hbm>> -> memref<6400xi32, #tpu.memory_space<hbm>>
      tpu.enqueue_dma source(%dma_start3A_10 : memref<6400xi32, #tpu.memory_space<hbm>>) target(%arg7 : memref<6400xi32, #tpu.memory_space<vmem>>) target_semaphore(%run_scoped3A : memref<!tpu.dma_semaphore, #tpu.memory_space<semaphore_mem>>)
      %dma_wait3A_11 = tpu.memref_slice %arg2[%mul3A_2] : memref<204800xi32, #tpu.memory_space<hbm>> -> memref<6400xi32, #tpu.memory_space<hbm>>
      %dma_wait3A_12 = tpu.memref_slice %arg2[%mul3A_2] : memref<204800xi32, #tpu.memory_space<hbm>> -> memref<6400xi32, #tpu.memory_space<hbm>>
      tpu.wait_dma2 semaphore(%run_scoped3A : memref<!tpu.dma_semaphore, #tpu.memory_space<semaphore_mem>>) src(%dma_wait3A_12 : memref<6400xi32, #tpu.memory_space<hbm>>) dst(%arg7 : memref<6400xi32, #tpu.memory_space<vmem>>)
      tpu.yield
    }) : () -> ()
    %dma_start3A = arith.constant 0 : i32
    %dma_start3A_3 = tpu.memref_slice %arg3[%dma_start3A] : memref<1000000xf32, #tpu.memory_space<hbm>> -> memref<1000000xf32, #tpu.memory_space<hbm>>
    tpu.enqueue_indirect_dma source(%dma_start3A_3 : memref<1000000xf32, #tpu.memory_space<hbm>>) target(%arg8 : memref<6400xf32, #tpu.memory_space<vmem>>) offsets(%arg7 : memref<6400xi32, #tpu.memory_space<vmem>>) semaphore(%arg10 : memref<!tpu.dma_semaphore, #tpu.memory_space<semaphore_mem>>)
    %dma_start3A_4 = arith.constant 0 : i32
    %dma_start3A_5 = tpu.memref_slice %arg4[%dma_start3A_4] : memref<1000000xi32, #tpu.memory_space<hbm>> -> memref<1000000xi32, #tpu.memory_space<hbm>>
    tpu.enqueue_indirect_dma source(%dma_start3A_5 : memref<1000000xi32, #tpu.memory_space<hbm>>) target(%arg9 : memref<6400xi32, #tpu.memory_space<vmem>>) offsets(%arg7 : memref<6400xi32, #tpu.memory_space<vmem>>) semaphore(%arg11 : memref<!tpu.dma_semaphore, #tpu.memory_space<semaphore_mem>>)
    %dma_wait3A = arith.constant 0 : i32
    %dma_wait3A_6 = tpu.memref_slice %arg3[%dma_wait3A] : memref<1000000xf32, #tpu.memory_space<hbm>> -> memref<1000000xf32, #tpu.memory_space<hbm>>
    tpu.wait_indirect_dma semaphore(%arg10 : memref<!tpu.dma_semaphore, #tpu.memory_space<semaphore_mem>>) src(%dma_wait3A_6 : memref<1000000xf32, #tpu.memory_space<hbm>>) dst(%arg8 : memref<6400xf32, #tpu.memory_space<vmem>>)
    %dma_wait3A_7 = arith.constant 0 : i32
    %dma_wait3A_8 = tpu.memref_slice %arg4[%dma_wait3A_7] : memref<1000000xi32, #tpu.memory_space<hbm>> -> memref<1000000xi32, #tpu.memory_space<hbm>>
    tpu.wait_indirect_dma semaphore(%arg11 : memref<!tpu.dma_semaphore, #tpu.memory_space<semaphore_mem>>) src(%dma_wait3A_8 : memref<1000000xi32, #tpu.memory_space<hbm>>) dst(%arg9 : memref<6400xi32, #tpu.memory_space<vmem>>)
    "tpu.region"() ({
      %run_scoped3A = tpu.sem_alloc : memref<!tpu.dma_semaphore, #tpu.memory_space<semaphore_mem>>
      %dma_start3A_9 = tpu.memref_slice %arg5[%mul3A_2] : memref<204800xf32, #tpu.memory_space<hbm>> -> memref<6400xf32, #tpu.memory_space<hbm>>
      %dma_start3A_10 = tpu.memref_slice %arg5[%mul3A_2] : memref<204800xf32, #tpu.memory_space<hbm>> -> memref<6400xf32, #tpu.memory_space<hbm>>
      tpu.enqueue_dma source(%arg8 : memref<6400xf32, #tpu.memory_space<vmem>>) target(%dma_start3A_10 : memref<6400xf32, #tpu.memory_space<hbm>>) target_semaphore(%run_scoped3A : memref<!tpu.dma_semaphore, #tpu.memory_space<semaphore_mem>>)
      %dma_wait3A_11 = tpu.memref_slice %arg5[%mul3A_2] : memref<204800xf32, #tpu.memory_space<hbm>> -> memref<6400xf32, #tpu.memory_space<hbm>>
      %dma_wait3A_12 = tpu.memref_slice %arg5[%mul3A_2] : memref<204800xf32, #tpu.memory_space<hbm>> -> memref<6400xf32, #tpu.memory_space<hbm>>
      tpu.wait_dma2 semaphore(%run_scoped3A : memref<!tpu.dma_semaphore, #tpu.memory_space<semaphore_mem>>) src(%arg8 : memref<6400xf32, #tpu.memory_space<vmem>>) dst(%dma_wait3A_12 : memref<6400xf32, #tpu.memory_space<hbm>>)
      tpu.yield
    }) : () -> ()
    "tpu.region"() ({
      %run_scoped3A = tpu.sem_alloc : memref<!tpu.dma_semaphore, #tpu.memory_space<semaphore_mem>>
      %dma_start3A_9 = tpu.memref_slice %arg6[%mul3A_2] : memref<204800xi32, #tpu.memory_space<hbm>> -> memref<6400xi32, #tpu.memory_space<hbm>>
      %dma_start3A_10 = tpu.memref_slice %arg6[%mul3A_2] : memref<204800xi32, #tpu.memory_space<hbm>> -> memref<6400xi32, #tpu.memory_space<hbm>>
      tpu.enqueue_dma source(%arg9 : memref<6400xi32, #tpu.memory_space<vmem>>) target(%dma_start3A_10 : memref<6400xi32, #tpu.memory_space<hbm>>) target_semaphore(%run_scoped3A : memref<!tpu.dma_semaphore, #tpu.memory_space<semaphore_mem>>)
      %dma_wait3A_11 = tpu.memref_slice %arg6[%mul3A_2] : memref<204800xi32, #tpu.memory_space<hbm>> -> memref<6400xi32, #tpu.memory_space<hbm>>
      %dma_wait3A_12 = tpu.memref_slice %arg6[%mul3A_2] : memref<204800xi32, #tpu.memory_space<hbm>> -> memref<6400xi32, #tpu.memory_space<hbm>>
      tpu.wait_dma2 semaphore(%run_scoped3A : memref<!tpu.dma_semaphore, #tpu.memory_space<semaphore_mem>>) src(%arg9 : memref<6400xi32, #tpu.memory_space<vmem>>) dst(%dma_wait3A_12 : memref<6400xi32, #tpu.memory_space<hbm>>)
      tpu.yield
    }) : () -> ()
    return
  }
}

module attributes {stable_mosaic.version = 14 : i64} {
  func.func @_encode_body(%arg0: i32, %arg1: memref<50x128xf32, #tpu.memory_space<vmem>>, %arg2: memref<50x128xi32, #tpu.memory_space<vmem>>, %arg3: memref<1x128xf32, #tpu.memory_space<vmem>>, %arg4: memref<48x128xf32, #tpu.memory_space<vmem>>, %arg5: memref<128x50x64xf32, #tpu.memory_space<vmem>>) attributes {dimension_semantics = [#tpu.dimension_semantics<arbitrary>], iteration_bounds = array<i64: 32>, scalar_prefetch = 0 : i64, scratch_operands = 0 : i64, tpu.core_type = #tpu.core_type<tc>, window_params = [{transform_indices = @transform_0, window_bounds = array<i64: 50, 128>}, {transform_indices = @transform_1, window_bounds = array<i64: 50, 128>}, {pipeline_mode = #tpu.pipeline_mode<synchronous>, transform_indices = @transform_2, window_bounds = array<i64: 1, 128>}, {pipeline_mode = #tpu.pipeline_mode<synchronous>, transform_indices = @transform_3, window_bounds = array<i64: 48, 128>}, {transform_indices = @transform_4, window_bounds = array<i64: 128, 50, 64>}]} {
    %get3A = arith.constant 0 : index
    %get3A_0 = arith.constant 0 : index
    %get3A_1 = vector.load %arg4[%get3A, %get3A_0] : memref<48x128xf32, #tpu.memory_space<vmem>>, vector<48x128xf32>
    %get3A_2 = arith.constant 0 : index
    %get3A_3 = arith.constant 0 : index
    %get3A_4 = vector.load %arg3[%get3A_2, %get3A_3] : memref<1x128xf32, #tpu.memory_space<vmem>>, vector<1x128xf32>
    %get3A_5 = arith.constant 0 : index
    %get3A_6 = arith.constant 0 : index
    %get3A_7 = vector.load %arg1[%get3A_5, %get3A_6] : memref<50x128xf32, #tpu.memory_space<vmem>>, vector<50x128xf32>
    %get3A_8 = arith.constant 0 : index
    %get3A_9 = arith.constant 0 : index
    %get3A_10 = vector.load %arg2[%get3A_8, %get3A_9] : memref<50x128xi32, #tpu.memory_space<vmem>>, vector<50x128xi32>
    %convert_element_type3A = arith.sitofp %get3A_10 : vector<50x128xi32> to vector<50x128xf32>
    %iota3A = tpu.iota {dimensions = array<i32: 1>} : vector<1x128xi32>
    %and3A = arith.constant 1 : i32
    %and3A_11 = vector.broadcast %and3A : i32 to vector<1x128xi32>
    %and3A_12 = arith.andi %iota3A, %and3A_11 : vector<1x128xi32>
    %iota3A_13 = tpu.iota {dimensions = array<i32: 1>} : vector<1x128xi32>
    %lt3A = arith.constant 64 : i32
    %lt3A_14 = vector.broadcast %lt3A : i32 to vector<1x128xi32>
    %lt3A_15 = arith.cmpi slt, %iota3A_13, %lt3A_14 : vector<1x128xi32>
    %iota3A_16 = tpu.iota {dimensions = array<i32: 1>} : vector<1x48xi32>
    %lt3A_17 = arith.constant 24 : i32
    %lt3A_18 = vector.broadcast %lt3A_17 : i32 to vector<1x48xi32>
    %lt3A_19 = arith.cmpi slt, %iota3A_16, %lt3A_18 : vector<1x48xi32>
    %iota3A_20 = tpu.iota {dimensions = array<i32: 1>} : vector<1x48xi32>
    %jit3A = arith.constant 24 : i32
    %eq3A = arith.constant 0 : i32
    %eq3A_21 = arith.cmpi eq, %jit3A, %eq3A : i32
    %jit3A_22 = arith.constant 1 : i32
    %select_n3A = arith.select %eq3A_21, %jit3A_22, %jit3A : i32
    %rem3A = vector.broadcast %select_n3A : i32 to vector<1x48xi32>
    %rem3A_23 = arith.remsi %iota3A_20, %rem3A : vector<1x48xi32>
    %ne3A = arith.constant 0 : i32
    %ne3A_24 = vector.broadcast %ne3A : i32 to vector<1x48xi32>
    %ne3A_25 = arith.cmpi ne, %rem3A_23, %ne3A_24 : vector<1x48xi32>
    %lt3A_26 = arith.constant 0 : i32
    %lt3A_27 = vector.broadcast %lt3A_26 : i32 to vector<1x48xi32>
    %lt3A_28 = arith.cmpi slt, %rem3A_23, %lt3A_27 : vector<1x48xi32>
    %lt3A_29 = arith.constant 0 : i32
    %lt3A_30 = arith.cmpi slt, %select_n3A, %lt3A_29 : i32
    %ne3A_31 = vector.broadcast %lt3A_30 : i1 to vector<1x48xi1>
    %ne3A_32 = vector.broadcast %ne3A_31 : vector<1x48xi1> to vector<1x48xi1>
    %ne3A_33 = arith.xori %lt3A_28, %ne3A_32 : vector<1x48xi1>
    %and3A_34 = arith.andi %ne3A_33, %ne3A_25 : vector<1x48xi1>
    %add3A = vector.broadcast %select_n3A : i32 to vector<1x48xi32>
    %add3A_35 = arith.addi %rem3A_23, %add3A : vector<1x48xi32>
    %select_n3A_36 = arith.select %and3A_34, %add3A_35, %rem3A_23 : vector<1x48xi1>, vector<1x48xi32>
    %convert_element_type3A_37 = arith.sitofp %select_n3A_36 : vector<1x48xi32> to vector<1x48xf32>
    %scan3A = arith.constant 0 : i32
    %scan3A_38 = arith.constant 8 : i32
    %scan3A_39 = arith.addi %scan3A, %scan3A_38 : i32
    %scan3A_40 = arith.constant 1 : i32
    scf.for %scan3A_42 = %scan3A to %scan3A_39 step %scan3A_40  : i32 {
      %iota3A_43 = tpu.iota {dimensions = array<i32: 0>} : vector<128x16xi32>
      %mul3A = arith.constant 16 : i32
      %mul3A_44 = arith.muli %scan3A_42, %mul3A : i32
      %iota3A_45 = tpu.iota {dimensions = array<i32: 1>} : vector<128x16xi32>
      %add3A_46 = vector.broadcast %mul3A_44 : i32 to vector<128x16xi32>
      %add3A_47 = arith.addi %add3A_46, %iota3A_45 : vector<128x16xi32>
      %eq3A_48 = arith.cmpi eq, %iota3A_43, %add3A_47 : vector<128x16xi32>
      %convert_element_type3A_49 = arith.extui %eq3A_48 : vector<128x16xi1> to vector<128x16xi32>
      %convert_element_type3A_50 = arith.sitofp %convert_element_type3A_49 : vector<128x16xi32> to vector<128x16xf32>
      %dot_general3A = arith.constant dense<0.000000e+00> : vector<50x16xf32>
      %dot_general3A_51 = tpu.matmul %get3A_7, %convert_element_type3A_50, %dot_general3A {dimension_numbers = #tpu.dot_dimension_numbers<[1], [0], [0], [1], [0, 0, 1, 1], [], []>, precision = #tpu.contract_precision<fp32>, transpose_lhs_hint = false} : vector<50x128xf32>, vector<128x16xf32>, vector<50x16xf32> -> vector<50x16xf32>
      %dot_general3A_52 = arith.constant dense<0.000000e+00> : vector<50x16xf32>
      %dot_general3A_53 = tpu.matmul %convert_element_type3A, %convert_element_type3A_50, %dot_general3A_52 {dimension_numbers = #tpu.dot_dimension_numbers<[1], [0], [0], [1], [0, 0, 1, 1], [], []>, transpose_lhs_hint = false} : vector<50x128xf32>, vector<128x16xf32>, vector<50x16xf32> -> vector<50x16xf32>
      %slice3A = vector.extract_strided_slice %dot_general3A_51 {offsets = [0, 0], sizes = [50, 1], strides = [1, 1]} : vector<50x16xf32> to vector<50x1xf32>
      %slice3A_54 = vector.extract_strided_slice %dot_general3A_51 {offsets = [0, 1], sizes = [50, 1], strides = [1, 1]} : vector<50x16xf32> to vector<50x1xf32>
      %broadcast_in_dim3A = vector.shape_cast %lt3A_15 : vector<1x128xi1> to vector<1x128xi1>
      %broadcast_in_dim3A_55 = vector.broadcast %broadcast_in_dim3A : vector<1x128xi1> to vector<50x128xi1>
      %broadcast_in_dim3A_56 = vector.shape_cast %slice3A : vector<50x1xf32> to vector<50x1xf32>
      %broadcast_in_dim3A_57 = vector.broadcast %broadcast_in_dim3A_56 : vector<50x1xf32> to vector<50x128xf32>
      %broadcast_in_dim3A_58 = vector.shape_cast %slice3A_54 : vector<50x1xf32> to vector<50x1xf32>
      %broadcast_in_dim3A_59 = vector.broadcast %broadcast_in_dim3A_58 : vector<50x1xf32> to vector<50x128xf32>
      %select_n3A_60 = arith.select %broadcast_in_dim3A_55, %broadcast_in_dim3A_57, %broadcast_in_dim3A_59 : vector<50x128xi1>, vector<50x128xf32>
      %mul3A_61 = vector.broadcast %get3A_4 : vector<1x128xf32> to vector<50x128xf32>
      %mul3A_62 = arith.mulf %select_n3A_60, %mul3A_61 : vector<50x128xf32>
      %slice3A_63 = vector.extract_strided_slice %dot_general3A_53 {offsets = [0, 0], sizes = [50, 1], strides = [1, 1]} : vector<50x16xf32> to vector<50x1xf32>
      %slice3A_64 = vector.extract_strided_slice %dot_general3A_53 {offsets = [0, 1], sizes = [50, 1], strides = [1, 1]} : vector<50x16xf32> to vector<50x1xf32>
      %broadcast_in_dim3A_65 = vector.shape_cast %lt3A_19 : vector<1x48xi1> to vector<1x48xi1>
      %broadcast_in_dim3A_66 = vector.broadcast %broadcast_in_dim3A_65 : vector<1x48xi1> to vector<50x48xi1>
      %broadcast_in_dim3A_67 = vector.shape_cast %slice3A_63 : vector<50x1xf32> to vector<50x1xf32>
      %broadcast_in_dim3A_68 = vector.broadcast %broadcast_in_dim3A_67 : vector<50x1xf32> to vector<50x48xf32>
      %broadcast_in_dim3A_69 = vector.shape_cast %slice3A_64 : vector<50x1xf32> to vector<50x1xf32>
      %broadcast_in_dim3A_70 = vector.broadcast %broadcast_in_dim3A_69 : vector<50x1xf32> to vector<50x48xf32>
      %select_n3A_71 = arith.select %broadcast_in_dim3A_66, %broadcast_in_dim3A_68, %broadcast_in_dim3A_70 : vector<50x48xi1>, vector<50x48xf32>
      %eq3A_72 = vector.broadcast %convert_element_type3A_37 : vector<1x48xf32> to vector<50x48xf32>
      %eq3A_73 = arith.cmpf oeq, %select_n3A_71, %eq3A_72 : vector<50x48xf32>
      %convert_element_type3A_74 = arith.extui %eq3A_73 : vector<50x48xi1> to vector<50x48xi32>
      %convert_element_type3A_75 = arith.sitofp %convert_element_type3A_74 : vector<50x48xi32> to vector<50x48xf32>
      %dot_general3A_76 = arith.constant dense<0.000000e+00> : vector<50x128xf32>
      %dot_general3A_77 = tpu.matmul %convert_element_type3A_75, %get3A_1, %dot_general3A_76 {dimension_numbers = #tpu.dot_dimension_numbers<[1], [0], [0], [1], [0, 0, 1, 1], [], []>, transpose_lhs_hint = false} : vector<50x48xf32>, vector<48x128xf32>, vector<50x128xf32> -> vector<50x128xf32>
      %mul3A_78 = arith.constant 0.636619746 : f32
      %mul3A_79 = vector.broadcast %mul3A_78 : f32 to vector<50x128xf32>
      %mul3A_80 = arith.mulf %mul3A_62, %mul3A_79 : vector<50x128xf32>
      %add3A_81 = arith.constant 0x4B400000 : f32
      %add3A_82 = vector.broadcast %add3A_81 : f32 to vector<50x128xf32>
      %add3A_83 = arith.addf %mul3A_80, %add3A_82 : vector<50x128xf32>
      %sub3A = arith.constant 0x4B400000 : f32
      %sub3A_84 = vector.broadcast %sub3A : f32 to vector<50x128xf32>
      %sub3A_85 = arith.subf %add3A_83, %sub3A_84 : vector<50x128xf32>
      %convert_element_type3A_86 = arith.fptosi %sub3A_85 : vector<50x128xf32> to vector<50x128xi32>
      %shift_right_arithmetic3A = arith.constant 10 : i32
      %shift_right_arithmetic3A_87 = vector.broadcast %shift_right_arithmetic3A : i32 to vector<50x128xi32>
      %shift_right_arithmetic3A_88 = arith.shrsi %convert_element_type3A_86, %shift_right_arithmetic3A_87 : vector<50x128xi32>
      %convert_element_type3A_89 = arith.sitofp %shift_right_arithmetic3A_88 : vector<50x128xi32> to vector<50x128xf32>
      %and3A_90 = arith.constant 1023 : i32
      %and3A_91 = vector.broadcast %and3A_90 : i32 to vector<50x128xi32>
      %and3A_92 = arith.andi %convert_element_type3A_86, %and3A_91 : vector<50x128xi32>
      %convert_element_type3A_93 = arith.sitofp %and3A_92 : vector<50x128xi32> to vector<50x128xf32>
      %mul3A_94 = arith.constant 1608.375 : f32
      %mul3A_95 = vector.broadcast %mul3A_94 : f32 to vector<50x128xf32>
      %mul3A_96 = arith.mulf %convert_element_type3A_89, %mul3A_95 : vector<50x128xf32>
      %sub3A_97 = arith.subf %mul3A_62, %mul3A_96 : vector<50x128xf32>
      %mul3A_98 = arith.constant 1.57067871 : f32
      %mul3A_99 = vector.broadcast %mul3A_98 : f32 to vector<50x128xf32>
      %mul3A_100 = arith.mulf %convert_element_type3A_93, %mul3A_99 : vector<50x128xf32>
      %sub3A_101 = arith.subf %sub3A_97, %mul3A_100 : vector<50x128xf32>
      %mul3A_102 = arith.constant 0.120437622 : f32
      %mul3A_103 = vector.broadcast %mul3A_102 : f32 to vector<50x128xf32>
      %mul3A_104 = arith.mulf %convert_element_type3A_89, %mul3A_103 : vector<50x128xf32>
      %sub3A_105 = arith.subf %sub3A_101, %mul3A_104 : vector<50x128xf32>
      %mul3A_106 = arith.constant 1.17614865E-4 : f32
      %mul3A_107 = vector.broadcast %mul3A_106 : f32 to vector<50x128xf32>
      %mul3A_108 = arith.mulf %convert_element_type3A_93, %mul3A_107 : vector<50x128xf32>
      %sub3A_109 = arith.subf %sub3A_105, %mul3A_108 : vector<50x128xf32>
      %mul3A_110 = arith.constant 1.01590376E-6 : f32
      %mul3A_111 = vector.broadcast %mul3A_110 : f32 to vector<50x128xf32>
      %mul3A_112 = arith.mulf %convert_element_type3A_89, %mul3A_111 : vector<50x128xf32>
      %sub3A_113 = arith.subf %sub3A_109, %mul3A_112 : vector<50x128xf32>
      %mul3A_114 = arith.constant 9.92093518E-10 : f32
      %mul3A_115 = vector.broadcast %mul3A_114 : f32 to vector<50x128xf32>
      %mul3A_116 = arith.mulf %convert_element_type3A_93, %mul3A_115 : vector<50x128xf32>
      %sub3A_117 = arith.subf %sub3A_113, %mul3A_116 : vector<50x128xf32>
      %add3A_118 = vector.broadcast %and3A_12 : vector<1x128xi32> to vector<50x128xi32>
      %add3A_119 = arith.addi %convert_element_type3A_86, %add3A_118 : vector<50x128xi32>
      %and3A_120 = arith.constant 3 : i32
      %and3A_121 = vector.broadcast %and3A_120 : i32 to vector<50x128xi32>
      %and3A_122 = arith.andi %add3A_119, %and3A_121 : vector<50x128xi32>
      %mul3A_123 = arith.mulf %sub3A_117, %sub3A_117 : vector<50x128xf32>
      %mul3A_124 = arith.constant 2.75573188E-6 : f32
      %mul3A_125 = vector.broadcast %mul3A_124 : f32 to vector<50x128xf32>
      %mul3A_126 = arith.mulf %mul3A_123, %mul3A_125 : vector<50x128xf32>
      %add3A_127 = arith.constant -1.98412701E-4 : f32
      %add3A_128 = vector.broadcast %add3A_127 : f32 to vector<50x128xf32>
      %add3A_129 = arith.addf %add3A_128, %mul3A_126 : vector<50x128xf32>
      %mul3A_130 = arith.mulf %mul3A_123, %add3A_129 : vector<50x128xf32>
      %add3A_131 = arith.constant 0.00833333377 : f32
      %add3A_132 = vector.broadcast %add3A_131 : f32 to vector<50x128xf32>
      %add3A_133 = arith.addf %add3A_132, %mul3A_130 : vector<50x128xf32>
      %mul3A_134 = arith.mulf %mul3A_123, %add3A_133 : vector<50x128xf32>
      %add3A_135 = arith.constant -0.166666672 : f32
      %add3A_136 = vector.broadcast %add3A_135 : f32 to vector<50x128xf32>
      %add3A_137 = arith.addf %add3A_136, %mul3A_134 : vector<50x128xf32>
      %mul3A_138 = arith.mulf %mul3A_123, %add3A_137 : vector<50x128xf32>
      %add3A_139 = arith.constant 1.000000e+00 : f32
      %add3A_140 = vector.broadcast %add3A_139 : f32 to vector<50x128xf32>
      %add3A_141 = arith.addf %add3A_140, %mul3A_138 : vector<50x128xf32>
      %mul3A_142 = arith.mulf %sub3A_117, %add3A_141 : vector<50x128xf32>
      %mul3A_143 = arith.constant 2.48015876E-5 : f32
      %mul3A_144 = vector.broadcast %mul3A_143 : f32 to vector<50x128xf32>
      %mul3A_145 = arith.mulf %mul3A_123, %mul3A_144 : vector<50x128xf32>
      %add3A_146 = arith.constant -0.00138888892 : f32
      %add3A_147 = vector.broadcast %add3A_146 : f32 to vector<50x128xf32>
      %add3A_148 = arith.addf %add3A_147, %mul3A_145 : vector<50x128xf32>
      %mul3A_149 = arith.mulf %mul3A_123, %add3A_148 : vector<50x128xf32>
      %add3A_150 = arith.constant 0.0416666679 : f32
      %add3A_151 = vector.broadcast %add3A_150 : f32 to vector<50x128xf32>
      %add3A_152 = arith.addf %add3A_151, %mul3A_149 : vector<50x128xf32>
      %mul3A_153 = arith.mulf %mul3A_123, %add3A_152 : vector<50x128xf32>
      %add3A_154 = arith.constant -5.000000e-01 : f32
      %add3A_155 = vector.broadcast %add3A_154 : f32 to vector<50x128xf32>
      %add3A_156 = arith.addf %add3A_155, %mul3A_153 : vector<50x128xf32>
      %mul3A_157 = arith.mulf %mul3A_123, %add3A_156 : vector<50x128xf32>
      %add3A_158 = arith.constant 1.000000e+00 : f32
      %add3A_159 = vector.broadcast %add3A_158 : f32 to vector<50x128xf32>
      %add3A_160 = arith.addf %add3A_159, %mul3A_157 : vector<50x128xf32>
      %and3A_161 = arith.constant 1 : i32
      %and3A_162 = vector.broadcast %and3A_161 : i32 to vector<50x128xi32>
      %and3A_163 = arith.andi %and3A_122, %and3A_162 : vector<50x128xi32>
      %eq3A_164 = arith.constant 1 : i32
      %eq3A_165 = vector.broadcast %eq3A_164 : i32 to vector<50x128xi32>
      %eq3A_166 = arith.cmpi eq, %and3A_163, %eq3A_165 : vector<50x128xi32>
      %select_n3A_167 = arith.select %eq3A_166, %add3A_160, %mul3A_142 : vector<50x128xi1>, vector<50x128xf32>
      %and3A_168 = arith.constant 2 : i32
      %and3A_169 = vector.broadcast %and3A_168 : i32 to vector<50x128xi32>
      %and3A_170 = arith.andi %and3A_122, %and3A_169 : vector<50x128xi32>
      %shift_left3A = arith.constant 30 : i32
      %shift_left3A_171 = vector.broadcast %shift_left3A : i32 to vector<50x128xi32>
      %shift_left3A_172 = arith.shli %and3A_170, %shift_left3A_171 : vector<50x128xi32>
      %bitcast_convert_type3A = tpu.bitcast %select_n3A_167 : vector<50x128xf32> -> vector<50x128xi32>
      %xor3A = arith.xori %bitcast_convert_type3A, %shift_left3A_172 : vector<50x128xi32>
      %bitcast_convert_type3A_173 = tpu.bitcast %xor3A : vector<50x128xi32> -> vector<50x128xf32>
      %add3A_174 = arith.addf %dot_general3A_77, %bitcast_convert_type3A_173 : vector<50x128xf32>
      %mul3A_175 = arith.constant 16 : i32
      %mul3A_176 = arith.muli %scan3A_42, %mul3A_175 : i32
      %add3A_177 = arith.constant 0 : i32
      %add3A_178 = arith.addi %mul3A_176, %add3A_177 : i32
      %slice3A_179 = vector.extract_strided_slice %add3A_174 {offsets = [0, 0], sizes = [50, 64], strides = [1, 1]} : vector<50x128xf32> to vector<50x64xf32>
      %broadcast_in_dim3A_180 = vector.shape_cast %slice3A_179 : vector<50x64xf32> to vector<1x50x64xf32>
      %swap3A = arith.index_cast %add3A_178 : i32 to index
      %swap3A_181 = arith.constant 0 : index
      %swap3A_182 = arith.constant 0 : index
      %swap3A_183 = vector.load %arg5[%swap3A, %swap3A_181, %swap3A_182] : memref<128x50x64xf32, #tpu.memory_space<vmem>>, vector<1x50x64xf32>
      tpu.vector_store %arg5[%swap3A, %swap3A_181, %swap3A_182], %broadcast_in_dim3A_180 {strides = array<i32>} : memref<128x50x64xf32, #tpu.memory_space<vmem>>, vector<1x50x64xf32>,
      %slice3A_184 = vector.extract_strided_slice %add3A_174 {offsets = [0, 64], sizes = [50, 64], strides = [1, 1]} : vector<50x128xf32> to vector<50x64xf32>
      %broadcast_in_dim3A_185 = vector.shape_cast %slice3A_184 : vector<50x64xf32> to vector<1x50x64xf32>
      %add3A_186 = arith.constant 1 : i32
      %add3A_187 = arith.addi %add3A_178, %add3A_186 : i32
      %swap3A_188 = arith.index_cast %add3A_187 : i32 to index
      %swap3A_189 = arith.constant 0 : index
      %swap3A_190 = arith.constant 0 : index
      %swap3A_191 = vector.load %arg5[%swap3A_188, %swap3A_189, %swap3A_190] : memref<128x50x64xf32, #tpu.memory_space<vmem>>, vector<1x50x64xf32>
      tpu.vector_store %arg5[%swap3A_188, %swap3A_189, %swap3A_190], %broadcast_in_dim3A_185 {strides = array<i32>} : memref<128x50x64xf32, #tpu.memory_space<vmem>>, vector<1x50x64xf32>,
      %slice3A_192 = vector.extract_strided_slice %dot_general3A_51 {offsets = [0, 2], sizes = [50, 1], strides = [1, 1]} : vector<50x16xf32> to vector<50x1xf32>
      %slice3A_193 = vector.extract_strided_slice %dot_general3A_51 {offsets = [0, 3], sizes = [50, 1], strides = [1, 1]} : vector<50x16xf32> to vector<50x1xf32>
      %broadcast_in_dim3A_194 = vector.shape_cast %lt3A_15 : vector<1x128xi1> to vector<1x128xi1>
      %broadcast_in_dim3A_195 = vector.broadcast %broadcast_in_dim3A_194 : vector<1x128xi1> to vector<50x128xi1>
      %broadcast_in_dim3A_196 = vector.shape_cast %slice3A_192 : vector<50x1xf32> to vector<50x1xf32>
      %broadcast_in_dim3A_197 = vector.broadcast %broadcast_in_dim3A_196 : vector<50x1xf32> to vector<50x128xf32>
      %broadcast_in_dim3A_198 = vector.shape_cast %slice3A_193 : vector<50x1xf32> to vector<50x1xf32>
      %broadcast_in_dim3A_199 = vector.broadcast %broadcast_in_dim3A_198 : vector<50x1xf32> to vector<50x128xf32>
      %select_n3A_200 = arith.select %broadcast_in_dim3A_195, %broadcast_in_dim3A_197, %broadcast_in_dim3A_199 : vector<50x128xi1>, vector<50x128xf32>
      %mul3A_201 = vector.broadcast %get3A_4 : vector<1x128xf32> to vector<50x128xf32>
      %mul3A_202 = arith.mulf %select_n3A_200, %mul3A_201 : vector<50x128xf32>
      %slice3A_203 = vector.extract_strided_slice %dot_general3A_53 {offsets = [0, 2], sizes = [50, 1], strides = [1, 1]} : vector<50x16xf32> to vector<50x1xf32>
      %slice3A_204 = vector.extract_strided_slice %dot_general3A_53 {offsets = [0, 3], sizes = [50, 1], strides = [1, 1]} : vector<50x16xf32> to vector<50x1xf32>
      %broadcast_in_dim3A_205 = vector.shape_cast %lt3A_19 : vector<1x48xi1> to vector<1x48xi1>
      %broadcast_in_dim3A_206 = vector.broadcast %broadcast_in_dim3A_205 : vector<1x48xi1> to vector<50x48xi1>
      %broadcast_in_dim3A_207 = vector.shape_cast %slice3A_203 : vector<50x1xf32> to vector<50x1xf32>
      %broadcast_in_dim3A_208 = vector.broadcast %broadcast_in_dim3A_207 : vector<50x1xf32> to vector<50x48xf32>
      %broadcast_in_dim3A_209 = vector.shape_cast %slice3A_204 : vector<50x1xf32> to vector<50x1xf32>
      %broadcast_in_dim3A_210 = vector.broadcast %broadcast_in_dim3A_209 : vector<50x1xf32> to vector<50x48xf32>
      %select_n3A_211 = arith.select %broadcast_in_dim3A_206, %broadcast_in_dim3A_208, %broadcast_in_dim3A_210 : vector<50x48xi1>, vector<50x48xf32>
      %eq3A_212 = vector.broadcast %convert_element_type3A_37 : vector<1x48xf32> to vector<50x48xf32>
      %eq3A_213 = arith.cmpf oeq, %select_n3A_211, %eq3A_212 : vector<50x48xf32>
      %convert_element_type3A_214 = arith.extui %eq3A_213 : vector<50x48xi1> to vector<50x48xi32>
      %convert_element_type3A_215 = arith.sitofp %convert_element_type3A_214 : vector<50x48xi32> to vector<50x48xf32>
      %dot_general3A_216 = arith.constant dense<0.000000e+00> : vector<50x128xf32>
      %dot_general3A_217 = tpu.matmul %convert_element_type3A_215, %get3A_1, %dot_general3A_216 {dimension_numbers = #tpu.dot_dimension_numbers<[1], [0], [0], [1], [0, 0, 1, 1], [], []>, transpose_lhs_hint = false} : vector<50x48xf32>, vector<48x128xf32>, vector<50x128xf32> -> vector<50x128xf32>
      %mul3A_218 = arith.constant 0.636619746 : f32
      %mul3A_219 = vector.broadcast %mul3A_218 : f32 to vector<50x128xf32>
      %mul3A_220 = arith.mulf %mul3A_202, %mul3A_219 : vector<50x128xf32>
      %add3A_221 = arith.constant 0x4B400000 : f32
      %add3A_222 = vector.broadcast %add3A_221 : f32 to vector<50x128xf32>
      %add3A_223 = arith.addf %mul3A_220, %add3A_222 : vector<50x128xf32>
      %sub3A_224 = arith.constant 0x4B400000 : f32
      %sub3A_225 = vector.broadcast %sub3A_224 : f32 to vector<50x128xf32>
      %sub3A_226 = arith.subf %add3A_223, %sub3A_225 : vector<50x128xf32>
      %convert_element_type3A_227 = arith.fptosi %sub3A_226 : vector<50x128xf32> to vector<50x128xi32>
      %shift_right_arithmetic3A_228 = arith.constant 10 : i32
      %shift_right_arithmetic3A_229 = vector.broadcast %shift_right_arithmetic3A_228 : i32 to vector<50x128xi32>
      %shift_right_arithmetic3A_230 = arith.shrsi %convert_element_type3A_227, %shift_right_arithmetic3A_229 : vector<50x128xi32>
      %convert_element_type3A_231 = arith.sitofp %shift_right_arithmetic3A_230 : vector<50x128xi32> to vector<50x128xf32>
      %and3A_232 = arith.constant 1023 : i32
      %and3A_233 = vector.broadcast %and3A_232 : i32 to vector<50x128xi32>
      %and3A_234 = arith.andi %convert_element_type3A_227, %and3A_233 : vector<50x128xi32>
      %convert_element_type3A_235 = arith.sitofp %and3A_234 : vector<50x128xi32> to vector<50x128xf32>
      %mul3A_236 = arith.constant 1608.375 : f32
      %mul3A_237 = vector.broadcast %mul3A_236 : f32 to vector<50x128xf32>
      %mul3A_238 = arith.mulf %convert_element_type3A_231, %mul3A_237 : vector<50x128xf32>
      %sub3A_239 = arith.subf %mul3A_202, %mul3A_238 : vector<50x128xf32>
      %mul3A_240 = arith.constant 1.57067871 : f32
      %mul3A_241 = vector.broadcast %mul3A_240 : f32 to vector<50x128xf32>
      %mul3A_242 = arith.mulf %convert_element_type3A_235, %mul3A_241 : vector<50x128xf32>
      %sub3A_243 = arith.subf %sub3A_239, %mul3A_242 : vector<50x128xf32>
      %mul3A_244 = arith.constant 0.120437622 : f32
      %mul3A_245 = vector.broadcast %mul3A_244 : f32 to vector<50x128xf32>
      %mul3A_246 = arith.mulf %convert_element_type3A_231, %mul3A_245 : vector<50x128xf32>
      %sub3A_247 = arith.subf %sub3A_243, %mul3A_246 : vector<50x128xf32>
      %mul3A_248 = arith.constant 1.17614865E-4 : f32
      %mul3A_249 = vector.broadcast %mul3A_248 : f32 to vector<50x128xf32>
      %mul3A_250 = arith.mulf %convert_element_type3A_235, %mul3A_249 : vector<50x128xf32>
      %sub3A_251 = arith.subf %sub3A_247, %mul3A_250 : vector<50x128xf32>
      %mul3A_252 = arith.constant 1.01590376E-6 : f32
      %mul3A_253 = vector.broadcast %mul3A_252 : f32 to vector<50x128xf32>
      %mul3A_254 = arith.mulf %convert_element_type3A_231, %mul3A_253 : vector<50x128xf32>
      %sub3A_255 = arith.subf %sub3A_251, %mul3A_254 : vector<50x128xf32>
      %mul3A_256 = arith.constant 9.92093518E-10 : f32
      %mul3A_257 = vector.broadcast %mul3A_256 : f32 to vector<50x128xf32>
      %mul3A_258 = arith.mulf %convert_element_type3A_235, %mul3A_257 : vector<50x128xf32>
      %sub3A_259 = arith.subf %sub3A_255, %mul3A_258 : vector<50x128xf32>
      %add3A_260 = vector.broadcast %and3A_12 : vector<1x128xi32> to vector<50x128xi32>
      %add3A_261 = arith.addi %convert_element_type3A_227, %add3A_260 : vector<50x128xi32>
      %and3A_262 = arith.constant 3 : i32
      %and3A_263 = vector.broadcast %and3A_262 : i32 to vector<50x128xi32>
      %and3A_264 = arith.andi %add3A_261, %and3A_263 : vector<50x128xi32>
      %mul3A_265 = arith.mulf %sub3A_259, %sub3A_259 : vector<50x128xf32>
      %mul3A_266 = arith.constant 2.75573188E-6 : f32
      %mul3A_267 = vector.broadcast %mul3A_266 : f32 to vector<50x128xf32>
      %mul3A_268 = arith.mulf %mul3A_265, %mul3A_267 : vector<50x128xf32>
      %add3A_269 = arith.constant -1.98412701E-4 : f32
      %add3A_270 = vector.broadcast %add3A_269 : f32 to vector<50x128xf32>
      %add3A_271 = arith.addf %add3A_270, %mul3A_268 : vector<50x128xf32>
      %mul3A_272 = arith.mulf %mul3A_265, %add3A_271 : vector<50x128xf32>
      %add3A_273 = arith.constant 0.00833333377 : f32
      %add3A_274 = vector.broadcast %add3A_273 : f32 to vector<50x128xf32>
      %add3A_275 = arith.addf %add3A_274, %mul3A_272 : vector<50x128xf32>
      %mul3A_276 = arith.mulf %mul3A_265, %add3A_275 : vector<50x128xf32>
      %add3A_277 = arith.constant -0.166666672 : f32
      %add3A_278 = vector.broadcast %add3A_277 : f32 to vector<50x128xf32>
      %add3A_279 = arith.addf %add3A_278, %mul3A_276 : vector<50x128xf32>
      %mul3A_280 = arith.mulf %mul3A_265, %add3A_279 : vector<50x128xf32>
      %add3A_281 = arith.constant 1.000000e+00 : f32
      %add3A_282 = vector.broadcast %add3A_281 : f32 to vector<50x128xf32>
      %add3A_283 = arith.addf %add3A_282, %mul3A_280 : vector<50x128xf32>
      %mul3A_284 = arith.mulf %sub3A_259, %add3A_283 : vector<50x128xf32>
      %mul3A_285 = arith.constant 2.48015876E-5 : f32
      %mul3A_286 = vector.broadcast %mul3A_285 : f32 to vector<50x128xf32>
      %mul3A_287 = arith.mulf %mul3A_265, %mul3A_286 : vector<50x128xf32>
      %add3A_288 = arith.constant -0.00138888892 : f32
      %add3A_289 = vector.broadcast %add3A_288 : f32 to vector<50x128xf32>
      %add3A_290 = arith.addf %add3A_289, %mul3A_287 : vector<50x128xf32>
      %mul3A_291 = arith.mulf %mul3A_265, %add3A_290 : vector<50x128xf32>
      %add3A_292 = arith.constant 0.0416666679 : f32
      %add3A_293 = vector.broadcast %add3A_292 : f32 to vector<50x128xf32>
      %add3A_294 = arith.addf %add3A_293, %mul3A_291 : vector<50x128xf32>
      %mul3A_295 = arith.mulf %mul3A_265, %add3A_294 : vector<50x128xf32>
      %add3A_296 = arith.constant -5.000000e-01 : f32
      %add3A_297 = vector.broadcast %add3A_296 : f32 to vector<50x128xf32>
      %add3A_298 = arith.addf %add3A_297, %mul3A_295 : vector<50x128xf32>
      %mul3A_299 = arith.mulf %mul3A_265, %add3A_298 : vector<50x128xf32>
      %add3A_300 = arith.constant 1.000000e+00 : f32
      %add3A_301 = vector.broadcast %add3A_300 : f32 to vector<50x128xf32>
      %add3A_302 = arith.addf %add3A_301, %mul3A_299 : vector<50x128xf32>
      %and3A_303 = arith.constant 1 : i32
      %and3A_304 = vector.broadcast %and3A_303 : i32 to vector<50x128xi32>
      %and3A_305 = arith.andi %and3A_264, %and3A_304 : vector<50x128xi32>
      %eq3A_306 = arith.constant 1 : i32
      %eq3A_307 = vector.broadcast %eq3A_306 : i32 to vector<50x128xi32>
      %eq3A_308 = arith.cmpi eq, %and3A_305, %eq3A_307 : vector<50x128xi32>
      %select_n3A_309 = arith.select %eq3A_308, %add3A_302, %mul3A_284 : vector<50x128xi1>, vector<50x128xf32>
      %and3A_310 = arith.constant 2 : i32
      %and3A_311 = vector.broadcast %and3A_310 : i32 to vector<50x128xi32>
      %and3A_312 = arith.andi %and3A_264, %and3A_311 : vector<50x128xi32>
      %shift_left3A_313 = arith.constant 30 : i32
      %shift_left3A_314 = vector.broadcast %shift_left3A_313 : i32 to vector<50x128xi32>
      %shift_left3A_315 = arith.shli %and3A_312, %shift_left3A_314 : vector<50x128xi32>
      %bitcast_convert_type3A_316 = tpu.bitcast %select_n3A_309 : vector<50x128xf32> -> vector<50x128xi32>
      %xor3A_317 = arith.xori %bitcast_convert_type3A_316, %shift_left3A_315 : vector<50x128xi32>
      %bitcast_convert_type3A_318 = tpu.bitcast %xor3A_317 : vector<50x128xi32> -> vector<50x128xf32>
      %add3A_319 = arith.addf %dot_general3A_217, %bitcast_convert_type3A_318 : vector<50x128xf32>
      %mul3A_320 = arith.constant 16 : i32
      %mul3A_321 = arith.muli %scan3A_42, %mul3A_320 : i32
      %add3A_322 = arith.constant 2 : i32
      %add3A_323 = arith.addi %mul3A_321, %add3A_322 : i32
      %slice3A_324 = vector.extract_strided_slice %add3A_319 {offsets = [0, 0], sizes = [50, 64], strides = [1, 1]} : vector<50x128xf32> to vector<50x64xf32>
      %broadcast_in_dim3A_325 = vector.shape_cast %slice3A_324 : vector<50x64xf32> to vector<1x50x64xf32>
      %swap3A_326 = arith.index_cast %add3A_323 : i32 to index
      %swap3A_327 = arith.constant 0 : index
      %swap3A_328 = arith.constant 0 : index
      %swap3A_329 = vector.load %arg5[%swap3A_326, %swap3A_327, %swap3A_328] : memref<128x50x64xf32, #tpu.memory_space<vmem>>, vector<1x50x64xf32>
      tpu.vector_store %arg5[%swap3A_326, %swap3A_327, %swap3A_328], %broadcast_in_dim3A_325 {strides = array<i32>} : memref<128x50x64xf32, #tpu.memory_space<vmem>>, vector<1x50x64xf32>,
      %slice3A_330 = vector.extract_strided_slice %add3A_319 {offsets = [0, 64], sizes = [50, 64], strides = [1, 1]} : vector<50x128xf32> to vector<50x64xf32>
      %broadcast_in_dim3A_331 = vector.shape_cast %slice3A_330 : vector<50x64xf32> to vector<1x50x64xf32>
      %add3A_332 = arith.constant 1 : i32
      %add3A_333 = arith.addi %add3A_323, %add3A_332 : i32
      %swap3A_334 = arith.index_cast %add3A_333 : i32 to index
      %swap3A_335 = arith.constant 0 : index
      %swap3A_336 = arith.constant 0 : index
      %swap3A_337 = vector.load %arg5[%swap3A_334, %swap3A_335, %swap3A_336] : memref<128x50x64xf32, #tpu.memory_space<vmem>>, vector<1x50x64xf32>
      tpu.vector_store %arg5[%swap3A_334, %swap3A_335, %swap3A_336], %broadcast_in_dim3A_331 {strides = array<i32>} : memref<128x50x64xf32, #tpu.memory_space<vmem>>, vector<1x50x64xf32>,
      %slice3A_338 = vector.extract_strided_slice %dot_general3A_51 {offsets = [0, 4], sizes = [50, 1], strides = [1, 1]} : vector<50x16xf32> to vector<50x1xf32>
      %slice3A_339 = vector.extract_strided_slice %dot_general3A_51 {offsets = [0, 5], sizes = [50, 1], strides = [1, 1]} : vector<50x16xf32> to vector<50x1xf32>
      %broadcast_in_dim3A_340 = vector.shape_cast %lt3A_15 : vector<1x128xi1> to vector<1x128xi1>
      %broadcast_in_dim3A_341 = vector.broadcast %broadcast_in_dim3A_340 : vector<1x128xi1> to vector<50x128xi1>
      %broadcast_in_dim3A_342 = vector.shape_cast %slice3A_338 : vector<50x1xf32> to vector<50x1xf32>
      %broadcast_in_dim3A_343 = vector.broadcast %broadcast_in_dim3A_342 : vector<50x1xf32> to vector<50x128xf32>
      %broadcast_in_dim3A_344 = vector.shape_cast %slice3A_339 : vector<50x1xf32> to vector<50x1xf32>
      %broadcast_in_dim3A_345 = vector.broadcast %broadcast_in_dim3A_344 : vector<50x1xf32> to vector<50x128xf32>
      %select_n3A_346 = arith.select %broadcast_in_dim3A_341, %broadcast_in_dim3A_343, %broadcast_in_dim3A_345 : vector<50x128xi1>, vector<50x128xf32>
      %mul3A_347 = vector.broadcast %get3A_4 : vector<1x128xf32> to vector<50x128xf32>
      %mul3A_348 = arith.mulf %select_n3A_346, %mul3A_347 : vector<50x128xf32>
      %slice3A_349 = vector.extract_strided_slice %dot_general3A_53 {offsets = [0, 4], sizes = [50, 1], strides = [1, 1]} : vector<50x16xf32> to vector<50x1xf32>
      %slice3A_350 = vector.extract_strided_slice %dot_general3A_53 {offsets = [0, 5], sizes = [50, 1], strides = [1, 1]} : vector<50x16xf32> to vector<50x1xf32>
      %broadcast_in_dim3A_351 = vector.shape_cast %lt3A_19 : vector<1x48xi1> to vector<1x48xi1>
      %broadcast_in_dim3A_352 = vector.broadcast %broadcast_in_dim3A_351 : vector<1x48xi1> to vector<50x48xi1>
      %broadcast_in_dim3A_353 = vector.shape_cast %slice3A_349 : vector<50x1xf32> to vector<50x1xf32>
      %broadcast_in_dim3A_354 = vector.broadcast %broadcast_in_dim3A_353 : vector<50x1xf32> to vector<50x48xf32>
      %broadcast_in_dim3A_355 = vector.shape_cast %slice3A_350 : vector<50x1xf32> to vector<50x1xf32>
      %broadcast_in_dim3A_356 = vector.broadcast %broadcast_in_dim3A_355 : vector<50x1xf32> to vector<50x48xf32>
      %select_n3A_357 = arith.select %broadcast_in_dim3A_352, %broadcast_in_dim3A_354, %broadcast_in_dim3A_356 : vector<50x48xi1>, vector<50x48xf32>
      %eq3A_358 = vector.broadcast %convert_element_type3A_37 : vector<1x48xf32> to vector<50x48xf32>
      %eq3A_359 = arith.cmpf oeq, %select_n3A_357, %eq3A_358 : vector<50x48xf32>
      %convert_element_type3A_360 = arith.extui %eq3A_359 : vector<50x48xi1> to vector<50x48xi32>
      %convert_element_type3A_361 = arith.sitofp %convert_element_type3A_360 : vector<50x48xi32> to vector<50x48xf32>
      %dot_general3A_362 = arith.constant dense<0.000000e+00> : vector<50x128xf32>
      %dot_general3A_363 = tpu.matmul %convert_element_type3A_361, %get3A_1, %dot_general3A_362 {dimension_numbers = #tpu.dot_dimension_numbers<[1], [0], [0], [1], [0, 0, 1, 1], [], []>, transpose_lhs_hint = false} : vector<50x48xf32>, vector<48x128xf32>, vector<50x128xf32> -> vector<50x128xf32>
      %mul3A_364 = arith.constant 0.636619746 : f32
      %mul3A_365 = vector.broadcast %mul3A_364 : f32 to vector<50x128xf32>
      %mul3A_366 = arith.mulf %mul3A_348, %mul3A_365 : vector<50x128xf32>
      %add3A_367 = arith.constant 0x4B400000 : f32
      %add3A_368 = vector.broadcast %add3A_367 : f32 to vector<50x128xf32>
      %add3A_369 = arith.addf %mul3A_366, %add3A_368 : vector<50x128xf32>
      %sub3A_370 = arith.constant 0x4B400000 : f32
      %sub3A_371 = vector.broadcast %sub3A_370 : f32 to vector<50x128xf32>
      %sub3A_372 = arith.subf %add3A_369, %sub3A_371 : vector<50x128xf32>
      %convert_element_type3A_373 = arith.fptosi %sub3A_372 : vector<50x128xf32> to vector<50x128xi32>
      %shift_right_arithmetic3A_374 = arith.constant 10 : i32
      %shift_right_arithmetic3A_375 = vector.broadcast %shift_right_arithmetic3A_374 : i32 to vector<50x128xi32>
      %shift_right_arithmetic3A_376 = arith.shrsi %convert_element_type3A_373, %shift_right_arithmetic3A_375 : vector<50x128xi32>
      %convert_element_type3A_377 = arith.sitofp %shift_right_arithmetic3A_376 : vector<50x128xi32> to vector<50x128xf32>
      %and3A_378 = arith.constant 1023 : i32
      %and3A_379 = vector.broadcast %and3A_378 : i32 to vector<50x128xi32>
      %and3A_380 = arith.andi %convert_element_type3A_373, %and3A_379 : vector<50x128xi32>
      %convert_element_type3A_381 = arith.sitofp %and3A_380 : vector<50x128xi32> to vector<50x128xf32>
      %mul3A_382 = arith.constant 1608.375 : f32
      %mul3A_383 = vector.broadcast %mul3A_382 : f32 to vector<50x128xf32>
      %mul3A_384 = arith.mulf %convert_element_type3A_377, %mul3A_383 : vector<50x128xf32>
      %sub3A_385 = arith.subf %mul3A_348, %mul3A_384 : vector<50x128xf32>
      %mul3A_386 = arith.constant 1.57067871 : f32
      %mul3A_387 = vector.broadcast %mul3A_386 : f32 to vector<50x128xf32>
      %mul3A_388 = arith.mulf %convert_element_type3A_381, %mul3A_387 : vector<50x128xf32>
      %sub3A_389 = arith.subf %sub3A_385, %mul3A_388 : vector<50x128xf32>
      %mul3A_390 = arith.constant 0.120437622 : f32
      %mul3A_391 = vector.broadcast %mul3A_390 : f32 to vector<50x128xf32>
      %mul3A_392 = arith.mulf %convert_element_type3A_377, %mul3A_391 : vector<50x128xf32>
      %sub3A_393 = arith.subf %sub3A_389, %mul3A_392 : vector<50x128xf32>
      %mul3A_394 = arith.constant 1.17614865E-4 : f32
      %mul3A_395 = vector.broadcast %mul3A_394 : f32 to vector<50x128xf32>
      %mul3A_396 = arith.mulf %convert_element_type3A_381, %mul3A_395 : vector<50x128xf32>
      %sub3A_397 = arith.subf %sub3A_393, %mul3A_396 : vector<50x128xf32>
      %mul3A_398 = arith.constant 1.01590376E-6 : f32
      %mul3A_399 = vector.broadcast %mul3A_398 : f32 to vector<50x128xf32>
      %mul3A_400 = arith.mulf %convert_element_type3A_377, %mul3A_399 : vector<50x128xf32>
      %sub3A_401 = arith.subf %sub3A_397, %mul3A_400 : vector<50x128xf32>
      %mul3A_402 = arith.constant 9.92093518E-10 : f32
      %mul3A_403 = vector.broadcast %mul3A_402 : f32 to vector<50x128xf32>
      %mul3A_404 = arith.mulf %convert_element_type3A_381, %mul3A_403 : vector<50x128xf32>
      %sub3A_405 = arith.subf %sub3A_401, %mul3A_404 : vector<50x128xf32>
      %add3A_406 = vector.broadcast %and3A_12 : vector<1x128xi32> to vector<50x128xi32>
      %add3A_407 = arith.addi %convert_element_type3A_373, %add3A_406 : vector<50x128xi32>
      %and3A_408 = arith.constant 3 : i32
      %and3A_409 = vector.broadcast %and3A_408 : i32 to vector<50x128xi32>
      %and3A_410 = arith.andi %add3A_407, %and3A_409 : vector<50x128xi32>
      %mul3A_411 = arith.mulf %sub3A_405, %sub3A_405 : vector<50x128xf32>
      %mul3A_412 = arith.constant 2.75573188E-6 : f32
      %mul3A_413 = vector.broadcast %mul3A_412 : f32 to vector<50x128xf32>
      %mul3A_414 = arith.mulf %mul3A_411, %mul3A_413 : vector<50x128xf32>
      %add3A_415 = arith.constant -1.98412701E-4 : f32
      %add3A_416 = vector.broadcast %add3A_415 : f32 to vector<50x128xf32>
      %add3A_417 = arith.addf %add3A_416, %mul3A_414 : vector<50x128xf32>
      %mul3A_418 = arith.mulf %mul3A_411, %add3A_417 : vector<50x128xf32>
      %add3A_419 = arith.constant 0.00833333377 : f32
      %add3A_420 = vector.broadcast %add3A_419 : f32 to vector<50x128xf32>
      %add3A_421 = arith.addf %add3A_420, %mul3A_418 : vector<50x128xf32>
      %mul3A_422 = arith.mulf %mul3A_411, %add3A_421 : vector<50x128xf32>
      %add3A_423 = arith.constant -0.166666672 : f32
      %add3A_424 = vector.broadcast %add3A_423 : f32 to vector<50x128xf32>
      %add3A_425 = arith.addf %add3A_424, %mul3A_422 : vector<50x128xf32>
      %mul3A_426 = arith.mulf %mul3A_411, %add3A_425 : vector<50x128xf32>
      %add3A_427 = arith.constant 1.000000e+00 : f32
      %add3A_428 = vector.broadcast %add3A_427 : f32 to vector<50x128xf32>
      %add3A_429 = arith.addf %add3A_428, %mul3A_426 : vector<50x128xf32>
      %mul3A_430 = arith.mulf %sub3A_405, %add3A_429 : vector<50x128xf32>
      %mul3A_431 = arith.constant 2.48015876E-5 : f32
      %mul3A_432 = vector.broadcast %mul3A_431 : f32 to vector<50x128xf32>
      %mul3A_433 = arith.mulf %mul3A_411, %mul3A_432 : vector<50x128xf32>
      %add3A_434 = arith.constant -0.00138888892 : f32
      %add3A_435 = vector.broadcast %add3A_434 : f32 to vector<50x128xf32>
      %add3A_436 = arith.addf %add3A_435, %mul3A_433 : vector<50x128xf32>
      %mul3A_437 = arith.mulf %mul3A_411, %add3A_436 : vector<50x128xf32>
      %add3A_438 = arith.constant 0.0416666679 : f32
      %add3A_439 = vector.broadcast %add3A_438 : f32 to vector<50x128xf32>
      %add3A_440 = arith.addf %add3A_439, %mul3A_437 : vector<50x128xf32>
      %mul3A_441 = arith.mulf %mul3A_411, %add3A_440 : vector<50x128xf32>
      %add3A_442 = arith.constant -5.000000e-01 : f32
      %add3A_443 = vector.broadcast %add3A_442 : f32 to vector<50x128xf32>
      %add3A_444 = arith.addf %add3A_443, %mul3A_441 : vector<50x128xf32>
      %mul3A_445 = arith.mulf %mul3A_411, %add3A_444 : vector<50x128xf32>
      %add3A_446 = arith.constant 1.000000e+00 : f32
      %add3A_447 = vector.broadcast %add3A_446 : f32 to vector<50x128xf32>
      %add3A_448 = arith.addf %add3A_447, %mul3A_445 : vector<50x128xf32>
      %and3A_449 = arith.constant 1 : i32
      %and3A_450 = vector.broadcast %and3A_449 : i32 to vector<50x128xi32>
      %and3A_451 = arith.andi %and3A_410, %and3A_450 : vector<50x128xi32>
      %eq3A_452 = arith.constant 1 : i32
      %eq3A_453 = vector.broadcast %eq3A_452 : i32 to vector<50x128xi32>
      %eq3A_454 = arith.cmpi eq, %and3A_451, %eq3A_453 : vector<50x128xi32>
      %select_n3A_455 = arith.select %eq3A_454, %add3A_448, %mul3A_430 : vector<50x128xi1>, vector<50x128xf32>
      %and3A_456 = arith.constant 2 : i32
      %and3A_457 = vector.broadcast %and3A_456 : i32 to vector<50x128xi32>
      %and3A_458 = arith.andi %and3A_410, %and3A_457 : vector<50x128xi32>
      %shift_left3A_459 = arith.constant 30 : i32
      %shift_left3A_460 = vector.broadcast %shift_left3A_459 : i32 to vector<50x128xi32>
      %shift_left3A_461 = arith.shli %and3A_458, %shift_left3A_460 : vector<50x128xi32>
      %bitcast_convert_type3A_462 = tpu.bitcast %select_n3A_455 : vector<50x128xf32> -> vector<50x128xi32>
      %xor3A_463 = arith.xori %bitcast_convert_type3A_462, %shift_left3A_461 : vector<50x128xi32>
      %bitcast_convert_type3A_464 = tpu.bitcast %xor3A_463 : vector<50x128xi32> -> vector<50x128xf32>
      %add3A_465 = arith.addf %dot_general3A_363, %bitcast_convert_type3A_464 : vector<50x128xf32>
      %mul3A_466 = arith.constant 16 : i32
      %mul3A_467 = arith.muli %scan3A_42, %mul3A_466 : i32
      %add3A_468 = arith.constant 4 : i32
      %add3A_469 = arith.addi %mul3A_467, %add3A_468 : i32
      %slice3A_470 = vector.extract_strided_slice %add3A_465 {offsets = [0, 0], sizes = [50, 64], strides = [1, 1]} : vector<50x128xf32> to vector<50x64xf32>
      %broadcast_in_dim3A_471 = vector.shape_cast %slice3A_470 : vector<50x64xf32> to vector<1x50x64xf32>
      %swap3A_472 = arith.index_cast %add3A_469 : i32 to index
      %swap3A_473 = arith.constant 0 : index
      %swap3A_474 = arith.constant 0 : index
      %swap3A_475 = vector.load %arg5[%swap3A_472, %swap3A_473, %swap3A_474] : memref<128x50x64xf32, #tpu.memory_space<vmem>>, vector<1x50x64xf32>
      tpu.vector_store %arg5[%swap3A_472, %swap3A_473, %swap3A_474], %broadcast_in_dim3A_471 {strides = array<i32>} : memref<128x50x64xf32, #tpu.memory_space<vmem>>, vector<1x50x64xf32>,
      %slice3A_476 = vector.extract_strided_slice %add3A_465 {offsets = [0, 64], sizes = [50, 64], strides = [1, 1]} : vector<50x128xf32> to vector<50x64xf32>
      %broadcast_in_dim3A_477 = vector.shape_cast %slice3A_476 : vector<50x64xf32> to vector<1x50x64xf32>
      %add3A_478 = arith.constant 1 : i32
      %add3A_479 = arith.addi %add3A_469, %add3A_478 : i32
      %swap3A_480 = arith.index_cast %add3A_479 : i32 to index
      %swap3A_481 = arith.constant 0 : index
      %swap3A_482 = arith.constant 0 : index
      %swap3A_483 = vector.load %arg5[%swap3A_480, %swap3A_481, %swap3A_482] : memref<128x50x64xf32, #tpu.memory_space<vmem>>, vector<1x50x64xf32>
      tpu.vector_store %arg5[%swap3A_480, %swap3A_481, %swap3A_482], %broadcast_in_dim3A_477 {strides = array<i32>} : memref<128x50x64xf32, #tpu.memory_space<vmem>>, vector<1x50x64xf32>,
      %slice3A_484 = vector.extract_strided_slice %dot_general3A_51 {offsets = [0, 6], sizes = [50, 1], strides = [1, 1]} : vector<50x16xf32> to vector<50x1xf32>
      %slice3A_485 = vector.extract_strided_slice %dot_general3A_51 {offsets = [0, 7], sizes = [50, 1], strides = [1, 1]} : vector<50x16xf32> to vector<50x1xf32>
      %broadcast_in_dim3A_486 = vector.shape_cast %lt3A_15 : vector<1x128xi1> to vector<1x128xi1>
      %broadcast_in_dim3A_487 = vector.broadcast %broadcast_in_dim3A_486 : vector<1x128xi1> to vector<50x128xi1>
      %broadcast_in_dim3A_488 = vector.shape_cast %slice3A_484 : vector<50x1xf32> to vector<50x1xf32>
      %broadcast_in_dim3A_489 = vector.broadcast %broadcast_in_dim3A_488 : vector<50x1xf32> to vector<50x128xf32>
      %broadcast_in_dim3A_490 = vector.shape_cast %slice3A_485 : vector<50x1xf32> to vector<50x1xf32>
      %broadcast_in_dim3A_491 = vector.broadcast %broadcast_in_dim3A_490 : vector<50x1xf32> to vector<50x128xf32>
      %select_n3A_492 = arith.select %broadcast_in_dim3A_487, %broadcast_in_dim3A_489, %broadcast_in_dim3A_491 : vector<50x128xi1>, vector<50x128xf32>
      %mul3A_493 = vector.broadcast %get3A_4 : vector<1x128xf32> to vector<50x128xf32>
      %mul3A_494 = arith.mulf %select_n3A_492, %mul3A_493 : vector<50x128xf32>
      %slice3A_495 = vector.extract_strided_slice %dot_general3A_53 {offsets = [0, 6], sizes = [50, 1], strides = [1, 1]} : vector<50x16xf32> to vector<50x1xf32>
      %slice3A_496 = vector.extract_strided_slice %dot_general3A_53 {offsets = [0, 7], sizes = [50, 1], strides = [1, 1]} : vector<50x16xf32> to vector<50x1xf32>
      %broadcast_in_dim3A_497 = vector.shape_cast %lt3A_19 : vector<1x48xi1> to vector<1x48xi1>
      %broadcast_in_dim3A_498 = vector.broadcast %broadcast_in_dim3A_497 : vector<1x48xi1> to vector<50x48xi1>
      %broadcast_in_dim3A_499 = vector.shape_cast %slice3A_495 : vector<50x1xf32> to vector<50x1xf32>
      %broadcast_in_dim3A_500 = vector.broadcast %broadcast_in_dim3A_499 : vector<50x1xf32> to vector<50x48xf32>
      %broadcast_in_dim3A_501 = vector.shape_cast %slice3A_496 : vector<50x1xf32> to vector<50x1xf32>
      %broadcast_in_dim3A_502 = vector.broadcast %broadcast_in_dim3A_501 : vector<50x1xf32> to vector<50x48xf32>
      %select_n3A_503 = arith.select %broadcast_in_dim3A_498, %broadcast_in_dim3A_500, %broadcast_in_dim3A_502 : vector<50x48xi1>, vector<50x48xf32>
      %eq3A_504 = vector.broadcast %convert_element_type3A_37 : vector<1x48xf32> to vector<50x48xf32>
      %eq3A_505 = arith.cmpf oeq, %select_n3A_503, %eq3A_504 : vector<50x48xf32>
      %convert_element_type3A_506 = arith.extui %eq3A_505 : vector<50x48xi1> to vector<50x48xi32>
      %convert_element_type3A_507 = arith.sitofp %convert_element_type3A_506 : vector<50x48xi32> to vector<50x48xf32>
      %dot_general3A_508 = arith.constant dense<0.000000e+00> : vector<50x128xf32>
      %dot_general3A_509 = tpu.matmul %convert_element_type3A_507, %get3A_1, %dot_general3A_508 {dimension_numbers = #tpu.dot_dimension_numbers<[1], [0], [0], [1], [0, 0, 1, 1], [], []>, transpose_lhs_hint = false} : vector<50x48xf32>, vector<48x128xf32>, vector<50x128xf32> -> vector<50x128xf32>
      %mul3A_510 = arith.constant 0.636619746 : f32
      %mul3A_511 = vector.broadcast %mul3A_510 : f32 to vector<50x128xf32>
      %mul3A_512 = arith.mulf %mul3A_494, %mul3A_511 : vector<50x128xf32>
      %add3A_513 = arith.constant 0x4B400000 : f32
      %add3A_514 = vector.broadcast %add3A_513 : f32 to vector<50x128xf32>
      %add3A_515 = arith.addf %mul3A_512, %add3A_514 : vector<50x128xf32>
      %sub3A_516 = arith.constant 0x4B400000 : f32
      %sub3A_517 = vector.broadcast %sub3A_516 : f32 to vector<50x128xf32>
      %sub3A_518 = arith.subf %add3A_515, %sub3A_517 : vector<50x128xf32>
      %convert_element_type3A_519 = arith.fptosi %sub3A_518 : vector<50x128xf32> to vector<50x128xi32>
      %shift_right_arithmetic3A_520 = arith.constant 10 : i32
      %shift_right_arithmetic3A_521 = vector.broadcast %shift_right_arithmetic3A_520 : i32 to vector<50x128xi32>
      %shift_right_arithmetic3A_522 = arith.shrsi %convert_element_type3A_519, %shift_right_arithmetic3A_521 : vector<50x128xi32>
      %convert_element_type3A_523 = arith.sitofp %shift_right_arithmetic3A_522 : vector<50x128xi32> to vector<50x128xf32>
      %and3A_524 = arith.constant 1023 : i32
      %and3A_525 = vector.broadcast %and3A_524 : i32 to vector<50x128xi32>
      %and3A_526 = arith.andi %convert_element_type3A_519, %and3A_525 : vector<50x128xi32>
      %convert_element_type3A_527 = arith.sitofp %and3A_526 : vector<50x128xi32> to vector<50x128xf32>
      %mul3A_528 = arith.constant 1608.375 : f32
      %mul3A_529 = vector.broadcast %mul3A_528 : f32 to vector<50x128xf32>
      %mul3A_530 = arith.mulf %convert_element_type3A_523, %mul3A_529 : vector<50x128xf32>
      %sub3A_531 = arith.subf %mul3A_494, %mul3A_530 : vector<50x128xf32>
      %mul3A_532 = arith.constant 1.57067871 : f32
      %mul3A_533 = vector.broadcast %mul3A_532 : f32 to vector<50x128xf32>
      %mul3A_534 = arith.mulf %convert_element_type3A_527, %mul3A_533 : vector<50x128xf32>
      %sub3A_535 = arith.subf %sub3A_531, %mul3A_534 : vector<50x128xf32>
      %mul3A_536 = arith.constant 0.120437622 : f32
      %mul3A_537 = vector.broadcast %mul3A_536 : f32 to vector<50x128xf32>
      %mul3A_538 = arith.mulf %convert_element_type3A_523, %mul3A_537 : vector<50x128xf32>
      %sub3A_539 = arith.subf %sub3A_535, %mul3A_538 : vector<50x128xf32>
      %mul3A_540 = arith.constant 1.17614865E-4 : f32
      %mul3A_541 = vector.broadcast %mul3A_540 : f32 to vector<50x128xf32>
      %mul3A_542 = arith.mulf %convert_element_type3A_527, %mul3A_541 : vector<50x128xf32>
      %sub3A_543 = arith.subf %sub3A_539, %mul3A_542 : vector<50x128xf32>
      %mul3A_544 = arith.constant 1.01590376E-6 : f32
      %mul3A_545 = vector.broadcast %mul3A_544 : f32 to vector<50x128xf32>
      %mul3A_546 = arith.mulf %convert_element_type3A_523, %mul3A_545 : vector<50x128xf32>
      %sub3A_547 = arith.subf %sub3A_543, %mul3A_546 : vector<50x128xf32>
      %mul3A_548 = arith.constant 9.92093518E-10 : f32
      %mul3A_549 = vector.broadcast %mul3A_548 : f32 to vector<50x128xf32>
      %mul3A_550 = arith.mulf %convert_element_type3A_527, %mul3A_549 : vector<50x128xf32>
      %sub3A_551 = arith.subf %sub3A_547, %mul3A_550 : vector<50x128xf32>
      %add3A_552 = vector.broadcast %and3A_12 : vector<1x128xi32> to vector<50x128xi32>
      %add3A_553 = arith.addi %convert_element_type3A_519, %add3A_552 : vector<50x128xi32>
      %and3A_554 = arith.constant 3 : i32
      %and3A_555 = vector.broadcast %and3A_554 : i32 to vector<50x128xi32>
      %and3A_556 = arith.andi %add3A_553, %and3A_555 : vector<50x128xi32>
      %mul3A_557 = arith.mulf %sub3A_551, %sub3A_551 : vector<50x128xf32>
      %mul3A_558 = arith.constant 2.75573188E-6 : f32
      %mul3A_559 = vector.broadcast %mul3A_558 : f32 to vector<50x128xf32>
      %mul3A_560 = arith.mulf %mul3A_557, %mul3A_559 : vector<50x128xf32>
      %add3A_561 = arith.constant -1.98412701E-4 : f32
      %add3A_562 = vector.broadcast %add3A_561 : f32 to vector<50x128xf32>
      %add3A_563 = arith.addf %add3A_562, %mul3A_560 : vector<50x128xf32>
      %mul3A_564 = arith.mulf %mul3A_557, %add3A_563 : vector<50x128xf32>
      %add3A_565 = arith.constant 0.00833333377 : f32
      %add3A_566 = vector.broadcast %add3A_565 : f32 to vector<50x128xf32>
      %add3A_567 = arith.addf %add3A_566, %mul3A_564 : vector<50x128xf32>
      %mul3A_568 = arith.mulf %mul3A_557, %add3A_567 : vector<50x128xf32>
      %add3A_569 = arith.constant -0.166666672 : f32
      %add3A_570 = vector.broadcast %add3A_569 : f32 to vector<50x128xf32>
      %add3A_571 = arith.addf %add3A_570, %mul3A_568 : vector<50x128xf32>
      %mul3A_572 = arith.mulf %mul3A_557, %add3A_571 : vector<50x128xf32>
      %add3A_573 = arith.constant 1.000000e+00 : f32
      %add3A_574 = vector.broadcast %add3A_573 : f32 to vector<50x128xf32>
      %add3A_575 = arith.addf %add3A_574, %mul3A_572 : vector<50x128xf32>
      %mul3A_576 = arith.mulf %sub3A_551, %add3A_575 : vector<50x128xf32>
      %mul3A_577 = arith.constant 2.48015876E-5 : f32
      %mul3A_578 = vector.broadcast %mul3A_577 : f32 to vector<50x128xf32>
      %mul3A_579 = arith.mulf %mul3A_557, %mul3A_578 : vector<50x128xf32>
      %add3A_580 = arith.constant -0.00138888892 : f32
      %add3A_581 = vector.broadcast %add3A_580 : f32 to vector<50x128xf32>
      %add3A_582 = arith.addf %add3A_581, %mul3A_579 : vector<50x128xf32>
      %mul3A_583 = arith.mulf %mul3A_557, %add3A_582 : vector<50x128xf32>
      %add3A_584 = arith.constant 0.0416666679 : f32
      %add3A_585 = vector.broadcast %add3A_584 : f32 to vector<50x128xf32>
      %add3A_586 = arith.addf %add3A_585, %mul3A_583 : vector<50x128xf32>
      %mul3A_587 = arith.mulf %mul3A_557, %add3A_586 : vector<50x128xf32>
      %add3A_588 = arith.constant -5.000000e-01 : f32
      %add3A_589 = vector.broadcast %add3A_588 : f32 to vector<50x128xf32>
      %add3A_590 = arith.addf %add3A_589, %mul3A_587 : vector<50x128xf32>
      %mul3A_591 = arith.mulf %mul3A_557, %add3A_590 : vector<50x128xf32>
      %add3A_592 = arith.constant 1.000000e+00 : f32
      %add3A_593 = vector.broadcast %add3A_592 : f32 to vector<50x128xf32>
      %add3A_594 = arith.addf %add3A_593, %mul3A_591 : vector<50x128xf32>
      %and3A_595 = arith.constant 1 : i32
      %and3A_596 = vector.broadcast %and3A_595 : i32 to vector<50x128xi32>
      %and3A_597 = arith.andi %and3A_556, %and3A_596 : vector<50x128xi32>
      %eq3A_598 = arith.constant 1 : i32
      %eq3A_599 = vector.broadcast %eq3A_598 : i32 to vector<50x128xi32>
      %eq3A_600 = arith.cmpi eq, %and3A_597, %eq3A_599 : vector<50x128xi32>
      %select_n3A_601 = arith.select %eq3A_600, %add3A_594, %mul3A_576 : vector<50x128xi1>, vector<50x128xf32>
      %and3A_602 = arith.constant 2 : i32
      %and3A_603 = vector.broadcast %and3A_602 : i32 to vector<50x128xi32>
      %and3A_604 = arith.andi %and3A_556, %and3A_603 : vector<50x128xi32>
      %shift_left3A_605 = arith.constant 30 : i32
      %shift_left3A_606 = vector.broadcast %shift_left3A_605 : i32 to vector<50x128xi32>
      %shift_left3A_607 = arith.shli %and3A_604, %shift_left3A_606 : vector<50x128xi32>
      %bitcast_convert_type3A_608 = tpu.bitcast %select_n3A_601 : vector<50x128xf32> -> vector<50x128xi32>
      %xor3A_609 = arith.xori %bitcast_convert_type3A_608, %shift_left3A_607 : vector<50x128xi32>
      %bitcast_convert_type3A_610 = tpu.bitcast %xor3A_609 : vector<50x128xi32> -> vector<50x128xf32>
      %add3A_611 = arith.addf %dot_general3A_509, %bitcast_convert_type3A_610 : vector<50x128xf32>
      %mul3A_612 = arith.constant 16 : i32
      %mul3A_613 = arith.muli %scan3A_42, %mul3A_612 : i32
      %add3A_614 = arith.constant 6 : i32
      %add3A_615 = arith.addi %mul3A_613, %add3A_614 : i32
      %slice3A_616 = vector.extract_strided_slice %add3A_611 {offsets = [0, 0], sizes = [50, 64], strides = [1, 1]} : vector<50x128xf32> to vector<50x64xf32>
      %broadcast_in_dim3A_617 = vector.shape_cast %slice3A_616 : vector<50x64xf32> to vector<1x50x64xf32>
      %swap3A_618 = arith.index_cast %add3A_615 : i32 to index
      %swap3A_619 = arith.constant 0 : index
      %swap3A_620 = arith.constant 0 : index
      %swap3A_621 = vector.load %arg5[%swap3A_618, %swap3A_619, %swap3A_620] : memref<128x50x64xf32, #tpu.memory_space<vmem>>, vector<1x50x64xf32>
      tpu.vector_store %arg5[%swap3A_618, %swap3A_619, %swap3A_620], %broadcast_in_dim3A_617 {strides = array<i32>} : memref<128x50x64xf32, #tpu.memory_space<vmem>>, vector<1x50x64xf32>,
      %slice3A_622 = vector.extract_strided_slice %add3A_611 {offsets = [0, 64], sizes = [50, 64], strides = [1, 1]} : vector<50x128xf32> to vector<50x64xf32>
      %broadcast_in_dim3A_623 = vector.shape_cast %slice3A_622 : vector<50x64xf32> to vector<1x50x64xf32>
      %add3A_624 = arith.constant 1 : i32
      %add3A_625 = arith.addi %add3A_615, %add3A_624 : i32
      %swap3A_626 = arith.index_cast %add3A_625 : i32 to index
      %swap3A_627 = arith.constant 0 : index
      %swap3A_628 = arith.constant 0 : index
      %swap3A_629 = vector.load %arg5[%swap3A_626, %swap3A_627, %swap3A_628] : memref<128x50x64xf32, #tpu.memory_space<vmem>>, vector<1x50x64xf32>
      tpu.vector_store %arg5[%swap3A_626, %swap3A_627, %swap3A_628], %broadcast_in_dim3A_623 {strides = array<i32>} : memref<128x50x64xf32, #tpu.memory_space<vmem>>, vector<1x50x64xf32>,
      %slice3A_630 = vector.extract_strided_slice %dot_general3A_51 {offsets = [0, 8], sizes = [50, 1], strides = [1, 1]} : vector<50x16xf32> to vector<50x1xf32>
      %slice3A_631 = vector.extract_strided_slice %dot_general3A_51 {offsets = [0, 9], sizes = [50, 1], strides = [1, 1]} : vector<50x16xf32> to vector<50x1xf32>
      %broadcast_in_dim3A_632 = vector.shape_cast %lt3A_15 : vector<1x128xi1> to vector<1x128xi1>
      %broadcast_in_dim3A_633 = vector.broadcast %broadcast_in_dim3A_632 : vector<1x128xi1> to vector<50x128xi1>
      %broadcast_in_dim3A_634 = vector.shape_cast %slice3A_630 : vector<50x1xf32> to vector<50x1xf32>
      %broadcast_in_dim3A_635 = vector.broadcast %broadcast_in_dim3A_634 : vector<50x1xf32> to vector<50x128xf32>
      %broadcast_in_dim3A_636 = vector.shape_cast %slice3A_631 : vector<50x1xf32> to vector<50x1xf32>
      %broadcast_in_dim3A_637 = vector.broadcast %broadcast_in_dim3A_636 : vector<50x1xf32> to vector<50x128xf32>
      %select_n3A_638 = arith.select %broadcast_in_dim3A_633, %broadcast_in_dim3A_635, %broadcast_in_dim3A_637 : vector<50x128xi1>, vector<50x128xf32>
      %mul3A_639 = vector.broadcast %get3A_4 : vector<1x128xf32> to vector<50x128xf32>
      %mul3A_640 = arith.mulf %select_n3A_638, %mul3A_639 : vector<50x128xf32>
      %slice3A_641 = vector.extract_strided_slice %dot_general3A_53 {offsets = [0, 8], sizes = [50, 1], strides = [1, 1]} : vector<50x16xf32> to vector<50x1xf32>
      %slice3A_642 = vector.extract_strided_slice %dot_general3A_53 {offsets = [0, 9], sizes = [50, 1], strides = [1, 1]} : vector<50x16xf32> to vector<50x1xf32>
      %broadcast_in_dim3A_643 = vector.shape_cast %lt3A_19 : vector<1x48xi1> to vector<1x48xi1>
      %broadcast_in_dim3A_644 = vector.broadcast %broadcast_in_dim3A_643 : vector<1x48xi1> to vector<50x48xi1>
      %broadcast_in_dim3A_645 = vector.shape_cast %slice3A_641 : vector<50x1xf32> to vector<50x1xf32>
      %broadcast_in_dim3A_646 = vector.broadcast %broadcast_in_dim3A_645 : vector<50x1xf32> to vector<50x48xf32>
      %broadcast_in_dim3A_647 = vector.shape_cast %slice3A_642 : vector<50x1xf32> to vector<50x1xf32>
      %broadcast_in_dim3A_648 = vector.broadcast %broadcast_in_dim3A_647 : vector<50x1xf32> to vector<50x48xf32>
      %select_n3A_649 = arith.select %broadcast_in_dim3A_644, %broadcast_in_dim3A_646, %broadcast_in_dim3A_648 : vector<50x48xi1>, vector<50x48xf32>
      %eq3A_650 = vector.broadcast %convert_element_type3A_37 : vector<1x48xf32> to vector<50x48xf32>
      %eq3A_651 = arith.cmpf oeq, %select_n3A_649, %eq3A_650 : vector<50x48xf32>
      %convert_element_type3A_652 = arith.extui %eq3A_651 : vector<50x48xi1> to vector<50x48xi32>
      %convert_element_type3A_653 = arith.sitofp %convert_element_type3A_652 : vector<50x48xi32> to vector<50x48xf32>
      %dot_general3A_654 = arith.constant dense<0.000000e+00> : vector<50x128xf32>
      %dot_general3A_655 = tpu.matmul %convert_element_type3A_653, %get3A_1, %dot_general3A_654 {dimension_numbers = #tpu.dot_dimension_numbers<[1], [0], [0], [1], [0, 0, 1, 1], [], []>, transpose_lhs_hint = false} : vector<50x48xf32>, vector<48x128xf32>, vector<50x128xf32> -> vector<50x128xf32>
      %mul3A_656 = arith.constant 0.636619746 : f32
      %mul3A_657 = vector.broadcast %mul3A_656 : f32 to vector<50x128xf32>
      %mul3A_658 = arith.mulf %mul3A_640, %mul3A_657 : vector<50x128xf32>
      %add3A_659 = arith.constant 0x4B400000 : f32
      %add3A_660 = vector.broadcast %add3A_659 : f32 to vector<50x128xf32>
      %add3A_661 = arith.addf %mul3A_658, %add3A_660 : vector<50x128xf32>
      %sub3A_662 = arith.constant 0x4B400000 : f32
      %sub3A_663 = vector.broadcast %sub3A_662 : f32 to vector<50x128xf32>
      %sub3A_664 = arith.subf %add3A_661, %sub3A_663 : vector<50x128xf32>
      %convert_element_type3A_665 = arith.fptosi %sub3A_664 : vector<50x128xf32> to vector<50x128xi32>
      %shift_right_arithmetic3A_666 = arith.constant 10 : i32
      %shift_right_arithmetic3A_667 = vector.broadcast %shift_right_arithmetic3A_666 : i32 to vector<50x128xi32>
      %shift_right_arithmetic3A_668 = arith.shrsi %convert_element_type3A_665, %shift_right_arithmetic3A_667 : vector<50x128xi32>
      %convert_element_type3A_669 = arith.sitofp %shift_right_arithmetic3A_668 : vector<50x128xi32> to vector<50x128xf32>
      %and3A_670 = arith.constant 1023 : i32
      %and3A_671 = vector.broadcast %and3A_670 : i32 to vector<50x128xi32>
      %and3A_672 = arith.andi %convert_element_type3A_665, %and3A_671 : vector<50x128xi32>
      %convert_element_type3A_673 = arith.sitofp %and3A_672 : vector<50x128xi32> to vector<50x128xf32>
      %mul3A_674 = arith.constant 1608.375 : f32
      %mul3A_675 = vector.broadcast %mul3A_674 : f32 to vector<50x128xf32>
      %mul3A_676 = arith.mulf %convert_element_type3A_669, %mul3A_675 : vector<50x128xf32>
      %sub3A_677 = arith.subf %mul3A_640, %mul3A_676 : vector<50x128xf32>
      %mul3A_678 = arith.constant 1.57067871 : f32
      %mul3A_679 = vector.broadcast %mul3A_678 : f32 to vector<50x128xf32>
      %mul3A_680 = arith.mulf %convert_element_type3A_673, %mul3A_679 : vector<50x128xf32>
      %sub3A_681 = arith.subf %sub3A_677, %mul3A_680 : vector<50x128xf32>
      %mul3A_682 = arith.constant 0.120437622 : f32
      %mul3A_683 = vector.broadcast %mul3A_682 : f32 to vector<50x128xf32>
      %mul3A_684 = arith.mulf %convert_element_type3A_669, %mul3A_683 : vector<50x128xf32>
      %sub3A_685 = arith.subf %sub3A_681, %mul3A_684 : vector<50x128xf32>
      %mul3A_686 = arith.constant 1.17614865E-4 : f32
      %mul3A_687 = vector.broadcast %mul3A_686 : f32 to vector<50x128xf32>
      %mul3A_688 = arith.mulf %convert_element_type3A_673, %mul3A_687 : vector<50x128xf32>
      %sub3A_689 = arith.subf %sub3A_685, %mul3A_688 : vector<50x128xf32>
      %mul3A_690 = arith.constant 1.01590376E-6 : f32
      %mul3A_691 = vector.broadcast %mul3A_690 : f32 to vector<50x128xf32>
      %mul3A_692 = arith.mulf %convert_element_type3A_669, %mul3A_691 : vector<50x128xf32>
      %sub3A_693 = arith.subf %sub3A_689, %mul3A_692 : vector<50x128xf32>
      %mul3A_694 = arith.constant 9.92093518E-10 : f32
      %mul3A_695 = vector.broadcast %mul3A_694 : f32 to vector<50x128xf32>
      %mul3A_696 = arith.mulf %convert_element_type3A_673, %mul3A_695 : vector<50x128xf32>
      %sub3A_697 = arith.subf %sub3A_693, %mul3A_696 : vector<50x128xf32>
      %add3A_698 = vector.broadcast %and3A_12 : vector<1x128xi32> to vector<50x128xi32>
      %add3A_699 = arith.addi %convert_element_type3A_665, %add3A_698 : vector<50x128xi32>
      %and3A_700 = arith.constant 3 : i32
      %and3A_701 = vector.broadcast %and3A_700 : i32 to vector<50x128xi32>
      %and3A_702 = arith.andi %add3A_699, %and3A_701 : vector<50x128xi32>
      %mul3A_703 = arith.mulf %sub3A_697, %sub3A_697 : vector<50x128xf32>
      %mul3A_704 = arith.constant 2.75573188E-6 : f32
      %mul3A_705 = vector.broadcast %mul3A_704 : f32 to vector<50x128xf32>
      %mul3A_706 = arith.mulf %mul3A_703, %mul3A_705 : vector<50x128xf32>
      %add3A_707 = arith.constant -1.98412701E-4 : f32
      %add3A_708 = vector.broadcast %add3A_707 : f32 to vector<50x128xf32>
      %add3A_709 = arith.addf %add3A_708, %mul3A_706 : vector<50x128xf32>
      %mul3A_710 = arith.mulf %mul3A_703, %add3A_709 : vector<50x128xf32>
      %add3A_711 = arith.constant 0.00833333377 : f32
      %add3A_712 = vector.broadcast %add3A_711 : f32 to vector<50x128xf32>
      %add3A_713 = arith.addf %add3A_712, %mul3A_710 : vector<50x128xf32>
      %mul3A_714 = arith.mulf %mul3A_703, %add3A_713 : vector<50x128xf32>
      %add3A_715 = arith.constant -0.166666672 : f32
      %add3A_716 = vector.broadcast %add3A_715 : f32 to vector<50x128xf32>
      %add3A_717 = arith.addf %add3A_716, %mul3A_714 : vector<50x128xf32>
      %mul3A_718 = arith.mulf %mul3A_703, %add3A_717 : vector<50x128xf32>
      %add3A_719 = arith.constant 1.000000e+00 : f32
      %add3A_720 = vector.broadcast %add3A_719 : f32 to vector<50x128xf32>
      %add3A_721 = arith.addf %add3A_720, %mul3A_718 : vector<50x128xf32>
      %mul3A_722 = arith.mulf %sub3A_697, %add3A_721 : vector<50x128xf32>
      %mul3A_723 = arith.constant 2.48015876E-5 : f32
      %mul3A_724 = vector.broadcast %mul3A_723 : f32 to vector<50x128xf32>
      %mul3A_725 = arith.mulf %mul3A_703, %mul3A_724 : vector<50x128xf32>
      %add3A_726 = arith.constant -0.00138888892 : f32
      %add3A_727 = vector.broadcast %add3A_726 : f32 to vector<50x128xf32>
      %add3A_728 = arith.addf %add3A_727, %mul3A_725 : vector<50x128xf32>
      %mul3A_729 = arith.mulf %mul3A_703, %add3A_728 : vector<50x128xf32>
      %add3A_730 = arith.constant 0.0416666679 : f32
      %add3A_731 = vector.broadcast %add3A_730 : f32 to vector<50x128xf32>
      %add3A_732 = arith.addf %add3A_731, %mul3A_729 : vector<50x128xf32>
      %mul3A_733 = arith.mulf %mul3A_703, %add3A_732 : vector<50x128xf32>
      %add3A_734 = arith.constant -5.000000e-01 : f32
      %add3A_735 = vector.broadcast %add3A_734 : f32 to vector<50x128xf32>
      %add3A_736 = arith.addf %add3A_735, %mul3A_733 : vector<50x128xf32>
      %mul3A_737 = arith.mulf %mul3A_703, %add3A_736 : vector<50x128xf32>
      %add3A_738 = arith.constant 1.000000e+00 : f32
      %add3A_739 = vector.broadcast %add3A_738 : f32 to vector<50x128xf32>
      %add3A_740 = arith.addf %add3A_739, %mul3A_737 : vector<50x128xf32>
      %and3A_741 = arith.constant 1 : i32
      %and3A_742 = vector.broadcast %and3A_741 : i32 to vector<50x128xi32>
      %and3A_743 = arith.andi %and3A_702, %and3A_742 : vector<50x128xi32>
      %eq3A_744 = arith.constant 1 : i32
      %eq3A_745 = vector.broadcast %eq3A_744 : i32 to vector<50x128xi32>
      %eq3A_746 = arith.cmpi eq, %and3A_743, %eq3A_745 : vector<50x128xi32>
      %select_n3A_747 = arith.select %eq3A_746, %add3A_740, %mul3A_722 : vector<50x128xi1>, vector<50x128xf32>
      %and3A_748 = arith.constant 2 : i32
      %and3A_749 = vector.broadcast %and3A_748 : i32 to vector<50x128xi32>
      %and3A_750 = arith.andi %and3A_702, %and3A_749 : vector<50x128xi32>
      %shift_left3A_751 = arith.constant 30 : i32
      %shift_left3A_752 = vector.broadcast %shift_left3A_751 : i32 to vector<50x128xi32>
      %shift_left3A_753 = arith.shli %and3A_750, %shift_left3A_752 : vector<50x128xi32>
      %bitcast_convert_type3A_754 = tpu.bitcast %select_n3A_747 : vector<50x128xf32> -> vector<50x128xi32>
      %xor3A_755 = arith.xori %bitcast_convert_type3A_754, %shift_left3A_753 : vector<50x128xi32>
      %bitcast_convert_type3A_756 = tpu.bitcast %xor3A_755 : vector<50x128xi32> -> vector<50x128xf32>
      %add3A_757 = arith.addf %dot_general3A_655, %bitcast_convert_type3A_756 : vector<50x128xf32>
      %mul3A_758 = arith.constant 16 : i32
      %mul3A_759 = arith.muli %scan3A_42, %mul3A_758 : i32
      %add3A_760 = arith.constant 8 : i32
      %add3A_761 = arith.addi %mul3A_759, %add3A_760 : i32
      %slice3A_762 = vector.extract_strided_slice %add3A_757 {offsets = [0, 0], sizes = [50, 64], strides = [1, 1]} : vector<50x128xf32> to vector<50x64xf32>
      %broadcast_in_dim3A_763 = vector.shape_cast %slice3A_762 : vector<50x64xf32> to vector<1x50x64xf32>
      %swap3A_764 = arith.index_cast %add3A_761 : i32 to index
      %swap3A_765 = arith.constant 0 : index
      %swap3A_766 = arith.constant 0 : index
      %swap3A_767 = vector.load %arg5[%swap3A_764, %swap3A_765, %swap3A_766] : memref<128x50x64xf32, #tpu.memory_space<vmem>>, vector<1x50x64xf32>
      tpu.vector_store %arg5[%swap3A_764, %swap3A_765, %swap3A_766], %broadcast_in_dim3A_763 {strides = array<i32>} : memref<128x50x64xf32, #tpu.memory_space<vmem>>, vector<1x50x64xf32>,
      %slice3A_768 = vector.extract_strided_slice %add3A_757 {offsets = [0, 64], sizes = [50, 64], strides = [1, 1]} : vector<50x128xf32> to vector<50x64xf32>
      %broadcast_in_dim3A_769 = vector.shape_cast %slice3A_768 : vector<50x64xf32> to vector<1x50x64xf32>
      %add3A_770 = arith.constant 1 : i32
      %add3A_771 = arith.addi %add3A_761, %add3A_770 : i32
      %swap3A_772 = arith.index_cast %add3A_771 : i32 to index
      %swap3A_773 = arith.constant 0 : index
      %swap3A_774 = arith.constant 0 : index
      %swap3A_775 = vector.load %arg5[%swap3A_772, %swap3A_773, %swap3A_774] : memref<128x50x64xf32, #tpu.memory_space<vmem>>, vector<1x50x64xf32>
      tpu.vector_store %arg5[%swap3A_772, %swap3A_773, %swap3A_774], %broadcast_in_dim3A_769 {strides = array<i32>} : memref<128x50x64xf32, #tpu.memory_space<vmem>>, vector<1x50x64xf32>,
      %slice3A_776 = vector.extract_strided_slice %dot_general3A_51 {offsets = [0, 10], sizes = [50, 1], strides = [1, 1]} : vector<50x16xf32> to vector<50x1xf32>
      %slice3A_777 = vector.extract_strided_slice %dot_general3A_51 {offsets = [0, 11], sizes = [50, 1], strides = [1, 1]} : vector<50x16xf32> to vector<50x1xf32>
      %broadcast_in_dim3A_778 = vector.shape_cast %lt3A_15 : vector<1x128xi1> to vector<1x128xi1>
      %broadcast_in_dim3A_779 = vector.broadcast %broadcast_in_dim3A_778 : vector<1x128xi1> to vector<50x128xi1>
      %broadcast_in_dim3A_780 = vector.shape_cast %slice3A_776 : vector<50x1xf32> to vector<50x1xf32>
      %broadcast_in_dim3A_781 = vector.broadcast %broadcast_in_dim3A_780 : vector<50x1xf32> to vector<50x128xf32>
      %broadcast_in_dim3A_782 = vector.shape_cast %slice3A_777 : vector<50x1xf32> to vector<50x1xf32>
      %broadcast_in_dim3A_783 = vector.broadcast %broadcast_in_dim3A_782 : vector<50x1xf32> to vector<50x128xf32>
      %select_n3A_784 = arith.select %broadcast_in_dim3A_779, %broadcast_in_dim3A_781, %broadcast_in_dim3A_783 : vector<50x128xi1>, vector<50x128xf32>
      %mul3A_785 = vector.broadcast %get3A_4 : vector<1x128xf32> to vector<50x128xf32>
      %mul3A_786 = arith.mulf %select_n3A_784, %mul3A_785 : vector<50x128xf32>
      %slice3A_787 = vector.extract_strided_slice %dot_general3A_53 {offsets = [0, 10], sizes = [50, 1], strides = [1, 1]} : vector<50x16xf32> to vector<50x1xf32>
      %slice3A_788 = vector.extract_strided_slice %dot_general3A_53 {offsets = [0, 11], sizes = [50, 1], strides = [1, 1]} : vector<50x16xf32> to vector<50x1xf32>
      %broadcast_in_dim3A_789 = vector.shape_cast %lt3A_19 : vector<1x48xi1> to vector<1x48xi1>
      %broadcast_in_dim3A_790 = vector.broadcast %broadcast_in_dim3A_789 : vector<1x48xi1> to vector<50x48xi1>
      %broadcast_in_dim3A_791 = vector.shape_cast %slice3A_787 : vector<50x1xf32> to vector<50x1xf32>
      %broadcast_in_dim3A_792 = vector.broadcast %broadcast_in_dim3A_791 : vector<50x1xf32> to vector<50x48xf32>
      %broadcast_in_dim3A_793 = vector.shape_cast %slice3A_788 : vector<50x1xf32> to vector<50x1xf32>
      %broadcast_in_dim3A_794 = vector.broadcast %broadcast_in_dim3A_793 : vector<50x1xf32> to vector<50x48xf32>
      %select_n3A_795 = arith.select %broadcast_in_dim3A_790, %broadcast_in_dim3A_792, %broadcast_in_dim3A_794 : vector<50x48xi1>, vector<50x48xf32>
      %eq3A_796 = vector.broadcast %convert_element_type3A_37 : vector<1x48xf32> to vector<50x48xf32>
      %eq3A_797 = arith.cmpf oeq, %select_n3A_795, %eq3A_796 : vector<50x48xf32>
      %convert_element_type3A_798 = arith.extui %eq3A_797 : vector<50x48xi1> to vector<50x48xi32>
      %convert_element_type3A_799 = arith.sitofp %convert_element_type3A_798 : vector<50x48xi32> to vector<50x48xf32>
      %dot_general3A_800 = arith.constant dense<0.000000e+00> : vector<50x128xf32>
      %dot_general3A_801 = tpu.matmul %convert_element_type3A_799, %get3A_1, %dot_general3A_800 {dimension_numbers = #tpu.dot_dimension_numbers<[1], [0], [0], [1], [0, 0, 1, 1], [], []>, transpose_lhs_hint = false} : vector<50x48xf32>, vector<48x128xf32>, vector<50x128xf32> -> vector<50x128xf32>
      %mul3A_802 = arith.constant 0.636619746 : f32
      %mul3A_803 = vector.broadcast %mul3A_802 : f32 to vector<50x128xf32>
      %mul3A_804 = arith.mulf %mul3A_786, %mul3A_803 : vector<50x128xf32>
      %add3A_805 = arith.constant 0x4B400000 : f32
      %add3A_806 = vector.broadcast %add3A_805 : f32 to vector<50x128xf32>
      %add3A_807 = arith.addf %mul3A_804, %add3A_806 : vector<50x128xf32>
      %sub3A_808 = arith.constant 0x4B400000 : f32
      %sub3A_809 = vector.broadcast %sub3A_808 : f32 to vector<50x128xf32>
      %sub3A_810 = arith.subf %add3A_807, %sub3A_809 : vector<50x128xf32>
      %convert_element_type3A_811 = arith.fptosi %sub3A_810 : vector<50x128xf32> to vector<50x128xi32>
      %shift_right_arithmetic3A_812 = arith.constant 10 : i32
      %shift_right_arithmetic3A_813 = vector.broadcast %shift_right_arithmetic3A_812 : i32 to vector<50x128xi32>
      %shift_right_arithmetic3A_814 = arith.shrsi %convert_element_type3A_811, %shift_right_arithmetic3A_813 : vector<50x128xi32>
      %convert_element_type3A_815 = arith.sitofp %shift_right_arithmetic3A_814 : vector<50x128xi32> to vector<50x128xf32>
      %and3A_816 = arith.constant 1023 : i32
      %and3A_817 = vector.broadcast %and3A_816 : i32 to vector<50x128xi32>
      %and3A_818 = arith.andi %convert_element_type3A_811, %and3A_817 : vector<50x128xi32>
      %convert_element_type3A_819 = arith.sitofp %and3A_818 : vector<50x128xi32> to vector<50x128xf32>
      %mul3A_820 = arith.constant 1608.375 : f32
      %mul3A_821 = vector.broadcast %mul3A_820 : f32 to vector<50x128xf32>
      %mul3A_822 = arith.mulf %convert_element_type3A_815, %mul3A_821 : vector<50x128xf32>
      %sub3A_823 = arith.subf %mul3A_786, %mul3A_822 : vector<50x128xf32>
      %mul3A_824 = arith.constant 1.57067871 : f32
      %mul3A_825 = vector.broadcast %mul3A_824 : f32 to vector<50x128xf32>
      %mul3A_826 = arith.mulf %convert_element_type3A_819, %mul3A_825 : vector<50x128xf32>
      %sub3A_827 = arith.subf %sub3A_823, %mul3A_826 : vector<50x128xf32>
      %mul3A_828 = arith.constant 0.120437622 : f32
      %mul3A_829 = vector.broadcast %mul3A_828 : f32 to vector<50x128xf32>
      %mul3A_830 = arith.mulf %convert_element_type3A_815, %mul3A_829 : vector<50x128xf32>
      %sub3A_831 = arith.subf %sub3A_827, %mul3A_830 : vector<50x128xf32>
      %mul3A_832 = arith.constant 1.17614865E-4 : f32
      %mul3A_833 = vector.broadcast %mul3A_832 : f32 to vector<50x128xf32>
      %mul3A_834 = arith.mulf %convert_element_type3A_819, %mul3A_833 : vector<50x128xf32>
      %sub3A_835 = arith.subf %sub3A_831, %mul3A_834 : vector<50x128xf32>
      %mul3A_836 = arith.constant 1.01590376E-6 : f32
      %mul3A_837 = vector.broadcast %mul3A_836 : f32 to vector<50x128xf32>
      %mul3A_838 = arith.mulf %convert_element_type3A_815, %mul3A_837 : vector<50x128xf32>
      %sub3A_839 = arith.subf %sub3A_835, %mul3A_838 : vector<50x128xf32>
      %mul3A_840 = arith.constant 9.92093518E-10 : f32
      %mul3A_841 = vector.broadcast %mul3A_840 : f32 to vector<50x128xf32>
      %mul3A_842 = arith.mulf %convert_element_type3A_819, %mul3A_841 : vector<50x128xf32>
      %sub3A_843 = arith.subf %sub3A_839, %mul3A_842 : vector<50x128xf32>
      %add3A_844 = vector.broadcast %and3A_12 : vector<1x128xi32> to vector<50x128xi32>
      %add3A_845 = arith.addi %convert_element_type3A_811, %add3A_844 : vector<50x128xi32>
      %and3A_846 = arith.constant 3 : i32
      %and3A_847 = vector.broadcast %and3A_846 : i32 to vector<50x128xi32>
      %and3A_848 = arith.andi %add3A_845, %and3A_847 : vector<50x128xi32>
      %mul3A_849 = arith.mulf %sub3A_843, %sub3A_843 : vector<50x128xf32>
      %mul3A_850 = arith.constant 2.75573188E-6 : f32
      %mul3A_851 = vector.broadcast %mul3A_850 : f32 to vector<50x128xf32>
      %mul3A_852 = arith.mulf %mul3A_849, %mul3A_851 : vector<50x128xf32>
      %add3A_853 = arith.constant -1.98412701E-4 : f32
      %add3A_854 = vector.broadcast %add3A_853 : f32 to vector<50x128xf32>
      %add3A_855 = arith.addf %add3A_854, %mul3A_852 : vector<50x128xf32>
      %mul3A_856 = arith.mulf %mul3A_849, %add3A_855 : vector<50x128xf32>
      %add3A_857 = arith.constant 0.00833333377 : f32
      %add3A_858 = vector.broadcast %add3A_857 : f32 to vector<50x128xf32>
      %add3A_859 = arith.addf %add3A_858, %mul3A_856 : vector<50x128xf32>
      %mul3A_860 = arith.mulf %mul3A_849, %add3A_859 : vector<50x128xf32>
      %add3A_861 = arith.constant -0.166666672 : f32
      %add3A_862 = vector.broadcast %add3A_861 : f32 to vector<50x128xf32>
      %add3A_863 = arith.addf %add3A_862, %mul3A_860 : vector<50x128xf32>
      %mul3A_864 = arith.mulf %mul3A_849, %add3A_863 : vector<50x128xf32>
      %add3A_865 = arith.constant 1.000000e+00 : f32
      %add3A_866 = vector.broadcast %add3A_865 : f32 to vector<50x128xf32>
      %add3A_867 = arith.addf %add3A_866, %mul3A_864 : vector<50x128xf32>
      %mul3A_868 = arith.mulf %sub3A_843, %add3A_867 : vector<50x128xf32>
      %mul3A_869 = arith.constant 2.48015876E-5 : f32
      %mul3A_870 = vector.broadcast %mul3A_869 : f32 to vector<50x128xf32>
      %mul3A_871 = arith.mulf %mul3A_849, %mul3A_870 : vector<50x128xf32>
      %add3A_872 = arith.constant -0.00138888892 : f32
      %add3A_873 = vector.broadcast %add3A_872 : f32 to vector<50x128xf32>
      %add3A_874 = arith.addf %add3A_873, %mul3A_871 : vector<50x128xf32>
      %mul3A_875 = arith.mulf %mul3A_849, %add3A_874 : vector<50x128xf32>
      %add3A_876 = arith.constant 0.0416666679 : f32
      %add3A_877 = vector.broadcast %add3A_876 : f32 to vector<50x128xf32>
      %add3A_878 = arith.addf %add3A_877, %mul3A_875 : vector<50x128xf32>
      %mul3A_879 = arith.mulf %mul3A_849, %add3A_878 : vector<50x128xf32>
      %add3A_880 = arith.constant -5.000000e-01 : f32
      %add3A_881 = vector.broadcast %add3A_880 : f32 to vector<50x128xf32>
      %add3A_882 = arith.addf %add3A_881, %mul3A_879 : vector<50x128xf32>
      %mul3A_883 = arith.mulf %mul3A_849, %add3A_882 : vector<50x128xf32>
      %add3A_884 = arith.constant 1.000000e+00 : f32
      %add3A_885 = vector.broadcast %add3A_884 : f32 to vector<50x128xf32>
      %add3A_886 = arith.addf %add3A_885, %mul3A_883 : vector<50x128xf32>
      %and3A_887 = arith.constant 1 : i32
      %and3A_888 = vector.broadcast %and3A_887 : i32 to vector<50x128xi32>
      %and3A_889 = arith.andi %and3A_848, %and3A_888 : vector<50x128xi32>
      %eq3A_890 = arith.constant 1 : i32
      %eq3A_891 = vector.broadcast %eq3A_890 : i32 to vector<50x128xi32>
      %eq3A_892 = arith.cmpi eq, %and3A_889, %eq3A_891 : vector<50x128xi32>
      %select_n3A_893 = arith.select %eq3A_892, %add3A_886, %mul3A_868 : vector<50x128xi1>, vector<50x128xf32>
      %and3A_894 = arith.constant 2 : i32
      %and3A_895 = vector.broadcast %and3A_894 : i32 to vector<50x128xi32>
      %and3A_896 = arith.andi %and3A_848, %and3A_895 : vector<50x128xi32>
      %shift_left3A_897 = arith.constant 30 : i32
      %shift_left3A_898 = vector.broadcast %shift_left3A_897 : i32 to vector<50x128xi32>
      %shift_left3A_899 = arith.shli %and3A_896, %shift_left3A_898 : vector<50x128xi32>
      %bitcast_convert_type3A_900 = tpu.bitcast %select_n3A_893 : vector<50x128xf32> -> vector<50x128xi32>
      %xor3A_901 = arith.xori %bitcast_convert_type3A_900, %shift_left3A_899 : vector<50x128xi32>
      %bitcast_convert_type3A_902 = tpu.bitcast %xor3A_901 : vector<50x128xi32> -> vector<50x128xf32>
      %add3A_903 = arith.addf %dot_general3A_801, %bitcast_convert_type3A_902 : vector<50x128xf32>
      %mul3A_904 = arith.constant 16 : i32
      %mul3A_905 = arith.muli %scan3A_42, %mul3A_904 : i32
      %add3A_906 = arith.constant 10 : i32
      %add3A_907 = arith.addi %mul3A_905, %add3A_906 : i32
      %slice3A_908 = vector.extract_strided_slice %add3A_903 {offsets = [0, 0], sizes = [50, 64], strides = [1, 1]} : vector<50x128xf32> to vector<50x64xf32>
      %broadcast_in_dim3A_909 = vector.shape_cast %slice3A_908 : vector<50x64xf32> to vector<1x50x64xf32>
      %swap3A_910 = arith.index_cast %add3A_907 : i32 to index
      %swap3A_911 = arith.constant 0 : index
      %swap3A_912 = arith.constant 0 : index
      %swap3A_913 = vector.load %arg5[%swap3A_910, %swap3A_911, %swap3A_912] : memref<128x50x64xf32, #tpu.memory_space<vmem>>, vector<1x50x64xf32>
      tpu.vector_store %arg5[%swap3A_910, %swap3A_911, %swap3A_912], %broadcast_in_dim3A_909 {strides = array<i32>} : memref<128x50x64xf32, #tpu.memory_space<vmem>>, vector<1x50x64xf32>,
      %slice3A_914 = vector.extract_strided_slice %add3A_903 {offsets = [0, 64], sizes = [50, 64], strides = [1, 1]} : vector<50x128xf32> to vector<50x64xf32>
      %broadcast_in_dim3A_915 = vector.shape_cast %slice3A_914 : vector<50x64xf32> to vector<1x50x64xf32>
      %add3A_916 = arith.constant 1 : i32
      %add3A_917 = arith.addi %add3A_907, %add3A_916 : i32
      %swap3A_918 = arith.index_cast %add3A_917 : i32 to index
      %swap3A_919 = arith.constant 0 : index
      %swap3A_920 = arith.constant 0 : index
      %swap3A_921 = vector.load %arg5[%swap3A_918, %swap3A_919, %swap3A_920] : memref<128x50x64xf32, #tpu.memory_space<vmem>>, vector<1x50x64xf32>
      tpu.vector_store %arg5[%swap3A_918, %swap3A_919, %swap3A_920], %broadcast_in_dim3A_915 {strides = array<i32>} : memref<128x50x64xf32, #tpu.memory_space<vmem>>, vector<1x50x64xf32>,
      %slice3A_922 = vector.extract_strided_slice %dot_general3A_51 {offsets = [0, 12], sizes = [50, 1], strides = [1, 1]} : vector<50x16xf32> to vector<50x1xf32>
      %slice3A_923 = vector.extract_strided_slice %dot_general3A_51 {offsets = [0, 13], sizes = [50, 1], strides = [1, 1]} : vector<50x16xf32> to vector<50x1xf32>
      %broadcast_in_dim3A_924 = vector.shape_cast %lt3A_15 : vector<1x128xi1> to vector<1x128xi1>
      %broadcast_in_dim3A_925 = vector.broadcast %broadcast_in_dim3A_924 : vector<1x128xi1> to vector<50x128xi1>
      %broadcast_in_dim3A_926 = vector.shape_cast %slice3A_922 : vector<50x1xf32> to vector<50x1xf32>
      %broadcast_in_dim3A_927 = vector.broadcast %broadcast_in_dim3A_926 : vector<50x1xf32> to vector<50x128xf32>
      %broadcast_in_dim3A_928 = vector.shape_cast %slice3A_923 : vector<50x1xf32> to vector<50x1xf32>
      %broadcast_in_dim3A_929 = vector.broadcast %broadcast_in_dim3A_928 : vector<50x1xf32> to vector<50x128xf32>
      %select_n3A_930 = arith.select %broadcast_in_dim3A_925, %broadcast_in_dim3A_927, %broadcast_in_dim3A_929 : vector<50x128xi1>, vector<50x128xf32>
      %mul3A_931 = vector.broadcast %get3A_4 : vector<1x128xf32> to vector<50x128xf32>
      %mul3A_932 = arith.mulf %select_n3A_930, %mul3A_931 : vector<50x128xf32>
      %slice3A_933 = vector.extract_strided_slice %dot_general3A_53 {offsets = [0, 12], sizes = [50, 1], strides = [1, 1]} : vector<50x16xf32> to vector<50x1xf32>
      %slice3A_934 = vector.extract_strided_slice %dot_general3A_53 {offsets = [0, 13], sizes = [50, 1], strides = [1, 1]} : vector<50x16xf32> to vector<50x1xf32>
      %broadcast_in_dim3A_935 = vector.shape_cast %lt3A_19 : vector<1x48xi1> to vector<1x48xi1>
      %broadcast_in_dim3A_936 = vector.broadcast %broadcast_in_dim3A_935 : vector<1x48xi1> to vector<50x48xi1>
      %broadcast_in_dim3A_937 = vector.shape_cast %slice3A_933 : vector<50x1xf32> to vector<50x1xf32>
      %broadcast_in_dim3A_938 = vector.broadcast %broadcast_in_dim3A_937 : vector<50x1xf32> to vector<50x48xf32>
      %broadcast_in_dim3A_939 = vector.shape_cast %slice3A_934 : vector<50x1xf32> to vector<50x1xf32>
      %broadcast_in_dim3A_940 = vector.broadcast %broadcast_in_dim3A_939 : vector<50x1xf32> to vector<50x48xf32>
      %select_n3A_941 = arith.select %broadcast_in_dim3A_936, %broadcast_in_dim3A_938, %broadcast_in_dim3A_940 : vector<50x48xi1>, vector<50x48xf32>
      %eq3A_942 = vector.broadcast %convert_element_type3A_37 : vector<1x48xf32> to vector<50x48xf32>
      %eq3A_943 = arith.cmpf oeq, %select_n3A_941, %eq3A_942 : vector<50x48xf32>
      %convert_element_type3A_944 = arith.extui %eq3A_943 : vector<50x48xi1> to vector<50x48xi32>
      %convert_element_type3A_945 = arith.sitofp %convert_element_type3A_944 : vector<50x48xi32> to vector<50x48xf32>
      %dot_general3A_946 = arith.constant dense<0.000000e+00> : vector<50x128xf32>
      %dot_general3A_947 = tpu.matmul %convert_element_type3A_945, %get3A_1, %dot_general3A_946 {dimension_numbers = #tpu.dot_dimension_numbers<[1], [0], [0], [1], [0, 0, 1, 1], [], []>, transpose_lhs_hint = false} : vector<50x48xf32>, vector<48x128xf32>, vector<50x128xf32> -> vector<50x128xf32>
      %mul3A_948 = arith.constant 0.636619746 : f32
      %mul3A_949 = vector.broadcast %mul3A_948 : f32 to vector<50x128xf32>
      %mul3A_950 = arith.mulf %mul3A_932, %mul3A_949 : vector<50x128xf32>
      %add3A_951 = arith.constant 0x4B400000 : f32
      %add3A_952 = vector.broadcast %add3A_951 : f32 to vector<50x128xf32>
      %add3A_953 = arith.addf %mul3A_950, %add3A_952 : vector<50x128xf32>
      %sub3A_954 = arith.constant 0x4B400000 : f32
      %sub3A_955 = vector.broadcast %sub3A_954 : f32 to vector<50x128xf32>
      %sub3A_956 = arith.subf %add3A_953, %sub3A_955 : vector<50x128xf32>
      %convert_element_type3A_957 = arith.fptosi %sub3A_956 : vector<50x128xf32> to vector<50x128xi32>
      %shift_right_arithmetic3A_958 = arith.constant 10 : i32
      %shift_right_arithmetic3A_959 = vector.broadcast %shift_right_arithmetic3A_958 : i32 to vector<50x128xi32>
      %shift_right_arithmetic3A_960 = arith.shrsi %convert_element_type3A_957, %shift_right_arithmetic3A_959 : vector<50x128xi32>
      %convert_element_type3A_961 = arith.sitofp %shift_right_arithmetic3A_960 : vector<50x128xi32> to vector<50x128xf32>
      %and3A_962 = arith.constant 1023 : i32
      %and3A_963 = vector.broadcast %and3A_962 : i32 to vector<50x128xi32>
      %and3A_964 = arith.andi %convert_element_type3A_957, %and3A_963 : vector<50x128xi32>
      %convert_element_type3A_965 = arith.sitofp %and3A_964 : vector<50x128xi32> to vector<50x128xf32>
      %mul3A_966 = arith.constant 1608.375 : f32
      %mul3A_967 = vector.broadcast %mul3A_966 : f32 to vector<50x128xf32>
      %mul3A_968 = arith.mulf %convert_element_type3A_961, %mul3A_967 : vector<50x128xf32>
      %sub3A_969 = arith.subf %mul3A_932, %mul3A_968 : vector<50x128xf32>
      %mul3A_970 = arith.constant 1.57067871 : f32
      %mul3A_971 = vector.broadcast %mul3A_970 : f32 to vector<50x128xf32>
      %mul3A_972 = arith.mulf %convert_element_type3A_965, %mul3A_971 : vector<50x128xf32>
      %sub3A_973 = arith.subf %sub3A_969, %mul3A_972 : vector<50x128xf32>
      %mul3A_974 = arith.constant 0.120437622 : f32
      %mul3A_975 = vector.broadcast %mul3A_974 : f32 to vector<50x128xf32>
      %mul3A_976 = arith.mulf %convert_element_type3A_961, %mul3A_975 : vector<50x128xf32>
      %sub3A_977 = arith.subf %sub3A_973, %mul3A_976 : vector<50x128xf32>
      %mul3A_978 = arith.constant 1.17614865E-4 : f32
      %mul3A_979 = vector.broadcast %mul3A_978 : f32 to vector<50x128xf32>
      %mul3A_980 = arith.mulf %convert_element_type3A_965, %mul3A_979 : vector<50x128xf32>
      %sub3A_981 = arith.subf %sub3A_977, %mul3A_980 : vector<50x128xf32>
      %mul3A_982 = arith.constant 1.01590376E-6 : f32
      %mul3A_983 = vector.broadcast %mul3A_982 : f32 to vector<50x128xf32>
      %mul3A_984 = arith.mulf %convert_element_type3A_961, %mul3A_983 : vector<50x128xf32>
      %sub3A_985 = arith.subf %sub3A_981, %mul3A_984 : vector<50x128xf32>
      %mul3A_986 = arith.constant 9.92093518E-10 : f32
      %mul3A_987 = vector.broadcast %mul3A_986 : f32 to vector<50x128xf32>
      %mul3A_988 = arith.mulf %convert_element_type3A_965, %mul3A_987 : vector<50x128xf32>
      %sub3A_989 = arith.subf %sub3A_985, %mul3A_988 : vector<50x128xf32>
      %add3A_990 = vector.broadcast %and3A_12 : vector<1x128xi32> to vector<50x128xi32>
      %add3A_991 = arith.addi %convert_element_type3A_957, %add3A_990 : vector<50x128xi32>
      %and3A_992 = arith.constant 3 : i32
      %and3A_993 = vector.broadcast %and3A_992 : i32 to vector<50x128xi32>
      %and3A_994 = arith.andi %add3A_991, %and3A_993 : vector<50x128xi32>
      %mul3A_995 = arith.mulf %sub3A_989, %sub3A_989 : vector<50x128xf32>
      %mul3A_996 = arith.constant 2.75573188E-6 : f32
      %mul3A_997 = vector.broadcast %mul3A_996 : f32 to vector<50x128xf32>
      %mul3A_998 = arith.mulf %mul3A_995, %mul3A_997 : vector<50x128xf32>
      %add3A_999 = arith.constant -1.98412701E-4 : f32
      %add3A_1000 = vector.broadcast %add3A_999 : f32 to vector<50x128xf32>
      %add3A_1001 = arith.addf %add3A_1000, %mul3A_998 : vector<50x128xf32>
      %mul3A_1002 = arith.mulf %mul3A_995, %add3A_1001 : vector<50x128xf32>
      %add3A_1003 = arith.constant 0.00833333377 : f32
      %add3A_1004 = vector.broadcast %add3A_1003 : f32 to vector<50x128xf32>
      %add3A_1005 = arith.addf %add3A_1004, %mul3A_1002 : vector<50x128xf32>
      %mul3A_1006 = arith.mulf %mul3A_995, %add3A_1005 : vector<50x128xf32>
      %add3A_1007 = arith.constant -0.166666672 : f32
      %add3A_1008 = vector.broadcast %add3A_1007 : f32 to vector<50x128xf32>
      %add3A_1009 = arith.addf %add3A_1008, %mul3A_1006 : vector<50x128xf32>
      %mul3A_1010 = arith.mulf %mul3A_995, %add3A_1009 : vector<50x128xf32>
      %add3A_1011 = arith.constant 1.000000e+00 : f32
      %add3A_1012 = vector.broadcast %add3A_1011 : f32 to vector<50x128xf32>
      %add3A_1013 = arith.addf %add3A_1012, %mul3A_1010 : vector<50x128xf32>
      %mul3A_1014 = arith.mulf %sub3A_989, %add3A_1013 : vector<50x128xf32>
      %mul3A_1015 = arith.constant 2.48015876E-5 : f32
      %mul3A_1016 = vector.broadcast %mul3A_1015 : f32 to vector<50x128xf32>
      %mul3A_1017 = arith.mulf %mul3A_995, %mul3A_1016 : vector<50x128xf32>
      %add3A_1018 = arith.constant -0.00138888892 : f32
      %add3A_1019 = vector.broadcast %add3A_1018 : f32 to vector<50x128xf32>
      %add3A_1020 = arith.addf %add3A_1019, %mul3A_1017 : vector<50x128xf32>
      %mul3A_1021 = arith.mulf %mul3A_995, %add3A_1020 : vector<50x128xf32>
      %add3A_1022 = arith.constant 0.0416666679 : f32
      %add3A_1023 = vector.broadcast %add3A_1022 : f32 to vector<50x128xf32>
      %add3A_1024 = arith.addf %add3A_1023, %mul3A_1021 : vector<50x128xf32>
      %mul3A_1025 = arith.mulf %mul3A_995, %add3A_1024 : vector<50x128xf32>
      %add3A_1026 = arith.constant -5.000000e-01 : f32
      %add3A_1027 = vector.broadcast %add3A_1026 : f32 to vector<50x128xf32>
      %add3A_1028 = arith.addf %add3A_1027, %mul3A_1025 : vector<50x128xf32>
      %mul3A_1029 = arith.mulf %mul3A_995, %add3A_1028 : vector<50x128xf32>
      %add3A_1030 = arith.constant 1.000000e+00 : f32
      %add3A_1031 = vector.broadcast %add3A_1030 : f32 to vector<50x128xf32>
      %add3A_1032 = arith.addf %add3A_1031, %mul3A_1029 : vector<50x128xf32>
      %and3A_1033 = arith.constant 1 : i32
      %and3A_1034 = vector.broadcast %and3A_1033 : i32 to vector<50x128xi32>
      %and3A_1035 = arith.andi %and3A_994, %and3A_1034 : vector<50x128xi32>
      %eq3A_1036 = arith.constant 1 : i32
      %eq3A_1037 = vector.broadcast %eq3A_1036 : i32 to vector<50x128xi32>
      %eq3A_1038 = arith.cmpi eq, %and3A_1035, %eq3A_1037 : vector<50x128xi32>
      %select_n3A_1039 = arith.select %eq3A_1038, %add3A_1032, %mul3A_1014 : vector<50x128xi1>, vector<50x128xf32>
      %and3A_1040 = arith.constant 2 : i32
      %and3A_1041 = vector.broadcast %and3A_1040 : i32 to vector<50x128xi32>
      %and3A_1042 = arith.andi %and3A_994, %and3A_1041 : vector<50x128xi32>
      %shift_left3A_1043 = arith.constant 30 : i32
      %shift_left3A_1044 = vector.broadcast %shift_left3A_1043 : i32 to vector<50x128xi32>
      %shift_left3A_1045 = arith.shli %and3A_1042, %shift_left3A_1044 : vector<50x128xi32>
      %bitcast_convert_type3A_1046 = tpu.bitcast %select_n3A_1039 : vector<50x128xf32> -> vector<50x128xi32>
      %xor3A_1047 = arith.xori %bitcast_convert_type3A_1046, %shift_left3A_1045 : vector<50x128xi32>
      %bitcast_convert_type3A_1048 = tpu.bitcast %xor3A_1047 : vector<50x128xi32> -> vector<50x128xf32>
      %add3A_1049 = arith.addf %dot_general3A_947, %bitcast_convert_type3A_1048 : vector<50x128xf32>
      %mul3A_1050 = arith.constant 16 : i32
      %mul3A_1051 = arith.muli %scan3A_42, %mul3A_1050 : i32
      %add3A_1052 = arith.constant 12 : i32
      %add3A_1053 = arith.addi %mul3A_1051, %add3A_1052 : i32
      %slice3A_1054 = vector.extract_strided_slice %add3A_1049 {offsets = [0, 0], sizes = [50, 64], strides = [1, 1]} : vector<50x128xf32> to vector<50x64xf32>
      %broadcast_in_dim3A_1055 = vector.shape_cast %slice3A_1054 : vector<50x64xf32> to vector<1x50x64xf32>
      %swap3A_1056 = arith.index_cast %add3A_1053 : i32 to index
      %swap3A_1057 = arith.constant 0 : index
      %swap3A_1058 = arith.constant 0 : index
      %swap3A_1059 = vector.load %arg5[%swap3A_1056, %swap3A_1057, %swap3A_1058] : memref<128x50x64xf32, #tpu.memory_space<vmem>>, vector<1x50x64xf32>
      tpu.vector_store %arg5[%swap3A_1056, %swap3A_1057, %swap3A_1058], %broadcast_in_dim3A_1055 {strides = array<i32>} : memref<128x50x64xf32, #tpu.memory_space<vmem>>, vector<1x50x64xf32>,
      %slice3A_1060 = vector.extract_strided_slice %add3A_1049 {offsets = [0, 64], sizes = [50, 64], strides = [1, 1]} : vector<50x128xf32> to vector<50x64xf32>
      %broadcast_in_dim3A_1061 = vector.shape_cast %slice3A_1060 : vector<50x64xf32> to vector<1x50x64xf32>
      %add3A_1062 = arith.constant 1 : i32
      %add3A_1063 = arith.addi %add3A_1053, %add3A_1062 : i32
      %swap3A_1064 = arith.index_cast %add3A_1063 : i32 to index
      %swap3A_1065 = arith.constant 0 : index
      %swap3A_1066 = arith.constant 0 : index
      %swap3A_1067 = vector.load %arg5[%swap3A_1064, %swap3A_1065, %swap3A_1066] : memref<128x50x64xf32, #tpu.memory_space<vmem>>, vector<1x50x64xf32>
      tpu.vector_store %arg5[%swap3A_1064, %swap3A_1065, %swap3A_1066], %broadcast_in_dim3A_1061 {strides = array<i32>} : memref<128x50x64xf32, #tpu.memory_space<vmem>>, vector<1x50x64xf32>,
      %slice3A_1068 = vector.extract_strided_slice %dot_general3A_51 {offsets = [0, 14], sizes = [50, 1], strides = [1, 1]} : vector<50x16xf32> to vector<50x1xf32>
      %slice3A_1069 = vector.extract_strided_slice %dot_general3A_51 {offsets = [0, 15], sizes = [50, 1], strides = [1, 1]} : vector<50x16xf32> to vector<50x1xf32>
      %broadcast_in_dim3A_1070 = vector.shape_cast %lt3A_15 : vector<1x128xi1> to vector<1x128xi1>
      %broadcast_in_dim3A_1071 = vector.broadcast %broadcast_in_dim3A_1070 : vector<1x128xi1> to vector<50x128xi1>
      %broadcast_in_dim3A_1072 = vector.shape_cast %slice3A_1068 : vector<50x1xf32> to vector<50x1xf32>
      %broadcast_in_dim3A_1073 = vector.broadcast %broadcast_in_dim3A_1072 : vector<50x1xf32> to vector<50x128xf32>
      %broadcast_in_dim3A_1074 = vector.shape_cast %slice3A_1069 : vector<50x1xf32> to vector<50x1xf32>
      %broadcast_in_dim3A_1075 = vector.broadcast %broadcast_in_dim3A_1074 : vector<50x1xf32> to vector<50x128xf32>
      %select_n3A_1076 = arith.select %broadcast_in_dim3A_1071, %broadcast_in_dim3A_1073, %broadcast_in_dim3A_1075 : vector<50x128xi1>, vector<50x128xf32>
      %mul3A_1077 = vector.broadcast %get3A_4 : vector<1x128xf32> to vector<50x128xf32>
      %mul3A_1078 = arith.mulf %select_n3A_1076, %mul3A_1077 : vector<50x128xf32>
      %slice3A_1079 = vector.extract_strided_slice %dot_general3A_53 {offsets = [0, 14], sizes = [50, 1], strides = [1, 1]} : vector<50x16xf32> to vector<50x1xf32>
      %slice3A_1080 = vector.extract_strided_slice %dot_general3A_53 {offsets = [0, 15], sizes = [50, 1], strides = [1, 1]} : vector<50x16xf32> to vector<50x1xf32>
      %broadcast_in_dim3A_1081 = vector.shape_cast %lt3A_19 : vector<1x48xi1> to vector<1x48xi1>
      %broadcast_in_dim3A_1082 = vector.broadcast %broadcast_in_dim3A_1081 : vector<1x48xi1> to vector<50x48xi1>
      %broadcast_in_dim3A_1083 = vector.shape_cast %slice3A_1079 : vector<50x1xf32> to vector<50x1xf32>
      %broadcast_in_dim3A_1084 = vector.broadcast %broadcast_in_dim3A_1083 : vector<50x1xf32> to vector<50x48xf32>
      %broadcast_in_dim3A_1085 = vector.shape_cast %slice3A_1080 : vector<50x1xf32> to vector<50x1xf32>
      %broadcast_in_dim3A_1086 = vector.broadcast %broadcast_in_dim3A_1085 : vector<50x1xf32> to vector<50x48xf32>
      %select_n3A_1087 = arith.select %broadcast_in_dim3A_1082, %broadcast_in_dim3A_1084, %broadcast_in_dim3A_1086 : vector<50x48xi1>, vector<50x48xf32>
      %eq3A_1088 = vector.broadcast %convert_element_type3A_37 : vector<1x48xf32> to vector<50x48xf32>
      %eq3A_1089 = arith.cmpf oeq, %select_n3A_1087, %eq3A_1088 : vector<50x48xf32>
      %convert_element_type3A_1090 = arith.extui %eq3A_1089 : vector<50x48xi1> to vector<50x48xi32>
      %convert_element_type3A_1091 = arith.sitofp %convert_element_type3A_1090 : vector<50x48xi32> to vector<50x48xf32>
      %dot_general3A_1092 = arith.constant dense<0.000000e+00> : vector<50x128xf32>
      %dot_general3A_1093 = tpu.matmul %convert_element_type3A_1091, %get3A_1, %dot_general3A_1092 {dimension_numbers = #tpu.dot_dimension_numbers<[1], [0], [0], [1], [0, 0, 1, 1], [], []>, transpose_lhs_hint = false} : vector<50x48xf32>, vector<48x128xf32>, vector<50x128xf32> -> vector<50x128xf32>
      %mul3A_1094 = arith.constant 0.636619746 : f32
      %mul3A_1095 = vector.broadcast %mul3A_1094 : f32 to vector<50x128xf32>
      %mul3A_1096 = arith.mulf %mul3A_1078, %mul3A_1095 : vector<50x128xf32>
      %add3A_1097 = arith.constant 0x4B400000 : f32
      %add3A_1098 = vector.broadcast %add3A_1097 : f32 to vector<50x128xf32>
      %add3A_1099 = arith.addf %mul3A_1096, %add3A_1098 : vector<50x128xf32>
      %sub3A_1100 = arith.constant 0x4B400000 : f32
      %sub3A_1101 = vector.broadcast %sub3A_1100 : f32 to vector<50x128xf32>
      %sub3A_1102 = arith.subf %add3A_1099, %sub3A_1101 : vector<50x128xf32>
      %convert_element_type3A_1103 = arith.fptosi %sub3A_1102 : vector<50x128xf32> to vector<50x128xi32>
      %shift_right_arithmetic3A_1104 = arith.constant 10 : i32
      %shift_right_arithmetic3A_1105 = vector.broadcast %shift_right_arithmetic3A_1104 : i32 to vector<50x128xi32>
      %shift_right_arithmetic3A_1106 = arith.shrsi %convert_element_type3A_1103, %shift_right_arithmetic3A_1105 : vector<50x128xi32>
      %convert_element_type3A_1107 = arith.sitofp %shift_right_arithmetic3A_1106 : vector<50x128xi32> to vector<50x128xf32>
      %and3A_1108 = arith.constant 1023 : i32
      %and3A_1109 = vector.broadcast %and3A_1108 : i32 to vector<50x128xi32>
      %and3A_1110 = arith.andi %convert_element_type3A_1103, %and3A_1109 : vector<50x128xi32>
      %convert_element_type3A_1111 = arith.sitofp %and3A_1110 : vector<50x128xi32> to vector<50x128xf32>
      %mul3A_1112 = arith.constant 1608.375 : f32
      %mul3A_1113 = vector.broadcast %mul3A_1112 : f32 to vector<50x128xf32>
      %mul3A_1114 = arith.mulf %convert_element_type3A_1107, %mul3A_1113 : vector<50x128xf32>
      %sub3A_1115 = arith.subf %mul3A_1078, %mul3A_1114 : vector<50x128xf32>
      %mul3A_1116 = arith.constant 1.57067871 : f32
      %mul3A_1117 = vector.broadcast %mul3A_1116 : f32 to vector<50x128xf32>
      %mul3A_1118 = arith.mulf %convert_element_type3A_1111, %mul3A_1117 : vector<50x128xf32>
      %sub3A_1119 = arith.subf %sub3A_1115, %mul3A_1118 : vector<50x128xf32>
      %mul3A_1120 = arith.constant 0.120437622 : f32
      %mul3A_1121 = vector.broadcast %mul3A_1120 : f32 to vector<50x128xf32>
      %mul3A_1122 = arith.mulf %convert_element_type3A_1107, %mul3A_1121 : vector<50x128xf32>
      %sub3A_1123 = arith.subf %sub3A_1119, %mul3A_1122 : vector<50x128xf32>
      %mul3A_1124 = arith.constant 1.17614865E-4 : f32
      %mul3A_1125 = vector.broadcast %mul3A_1124 : f32 to vector<50x128xf32>
      %mul3A_1126 = arith.mulf %convert_element_type3A_1111, %mul3A_1125 : vector<50x128xf32>
      %sub3A_1127 = arith.subf %sub3A_1123, %mul3A_1126 : vector<50x128xf32>
      %mul3A_1128 = arith.constant 1.01590376E-6 : f32
      %mul3A_1129 = vector.broadcast %mul3A_1128 : f32 to vector<50x128xf32>
      %mul3A_1130 = arith.mulf %convert_element_type3A_1107, %mul3A_1129 : vector<50x128xf32>
      %sub3A_1131 = arith.subf %sub3A_1127, %mul3A_1130 : vector<50x128xf32>
      %mul3A_1132 = arith.constant 9.92093518E-10 : f32
      %mul3A_1133 = vector.broadcast %mul3A_1132 : f32 to vector<50x128xf32>
      %mul3A_1134 = arith.mulf %convert_element_type3A_1111, %mul3A_1133 : vector<50x128xf32>
      %sub3A_1135 = arith.subf %sub3A_1131, %mul3A_1134 : vector<50x128xf32>
      %add3A_1136 = vector.broadcast %and3A_12 : vector<1x128xi32> to vector<50x128xi32>
      %add3A_1137 = arith.addi %convert_element_type3A_1103, %add3A_1136 : vector<50x128xi32>
      %and3A_1138 = arith.constant 3 : i32
      %and3A_1139 = vector.broadcast %and3A_1138 : i32 to vector<50x128xi32>
      %and3A_1140 = arith.andi %add3A_1137, %and3A_1139 : vector<50x128xi32>
      %mul3A_1141 = arith.mulf %sub3A_1135, %sub3A_1135 : vector<50x128xf32>
      %mul3A_1142 = arith.constant 2.75573188E-6 : f32
      %mul3A_1143 = vector.broadcast %mul3A_1142 : f32 to vector<50x128xf32>
      %mul3A_1144 = arith.mulf %mul3A_1141, %mul3A_1143 : vector<50x128xf32>
      %add3A_1145 = arith.constant -1.98412701E-4 : f32
      %add3A_1146 = vector.broadcast %add3A_1145 : f32 to vector<50x128xf32>
      %add3A_1147 = arith.addf %add3A_1146, %mul3A_1144 : vector<50x128xf32>
      %mul3A_1148 = arith.mulf %mul3A_1141, %add3A_1147 : vector<50x128xf32>
      %add3A_1149 = arith.constant 0.00833333377 : f32
      %add3A_1150 = vector.broadcast %add3A_1149 : f32 to vector<50x128xf32>
      %add3A_1151 = arith.addf %add3A_1150, %mul3A_1148 : vector<50x128xf32>
      %mul3A_1152 = arith.mulf %mul3A_1141, %add3A_1151 : vector<50x128xf32>
      %add3A_1153 = arith.constant -0.166666672 : f32
      %add3A_1154 = vector.broadcast %add3A_1153 : f32 to vector<50x128xf32>
      %add3A_1155 = arith.addf %add3A_1154, %mul3A_1152 : vector<50x128xf32>
      %mul3A_1156 = arith.mulf %mul3A_1141, %add3A_1155 : vector<50x128xf32>
      %add3A_1157 = arith.constant 1.000000e+00 : f32
      %add3A_1158 = vector.broadcast %add3A_1157 : f32 to vector<50x128xf32>
      %add3A_1159 = arith.addf %add3A_1158, %mul3A_1156 : vector<50x128xf32>
      %mul3A_1160 = arith.mulf %sub3A_1135, %add3A_1159 : vector<50x128xf32>
      %mul3A_1161 = arith.constant 2.48015876E-5 : f32
      %mul3A_1162 = vector.broadcast %mul3A_1161 : f32 to vector<50x128xf32>
      %mul3A_1163 = arith.mulf %mul3A_1141, %mul3A_1162 : vector<50x128xf32>
      %add3A_1164 = arith.constant -0.00138888892 : f32
      %add3A_1165 = vector.broadcast %add3A_1164 : f32 to vector<50x128xf32>
      %add3A_1166 = arith.addf %add3A_1165, %mul3A_1163 : vector<50x128xf32>
      %mul3A_1167 = arith.mulf %mul3A_1141, %add3A_1166 : vector<50x128xf32>
      %add3A_1168 = arith.constant 0.0416666679 : f32
      %add3A_1169 = vector.broadcast %add3A_1168 : f32 to vector<50x128xf32>
      %add3A_1170 = arith.addf %add3A_1169, %mul3A_1167 : vector<50x128xf32>
      %mul3A_1171 = arith.mulf %mul3A_1141, %add3A_1170 : vector<50x128xf32>
      %add3A_1172 = arith.constant -5.000000e-01 : f32
      %add3A_1173 = vector.broadcast %add3A_1172 : f32 to vector<50x128xf32>
      %add3A_1174 = arith.addf %add3A_1173, %mul3A_1171 : vector<50x128xf32>
      %mul3A_1175 = arith.mulf %mul3A_1141, %add3A_1174 : vector<50x128xf32>
      %add3A_1176 = arith.constant 1.000000e+00 : f32
      %add3A_1177 = vector.broadcast %add3A_1176 : f32 to vector<50x128xf32>
      %add3A_1178 = arith.addf %add3A_1177, %mul3A_1175 : vector<50x128xf32>
      %and3A_1179 = arith.constant 1 : i32
      %and3A_1180 = vector.broadcast %and3A_1179 : i32 to vector<50x128xi32>
      %and3A_1181 = arith.andi %and3A_1140, %and3A_1180 : vector<50x128xi32>
      %eq3A_1182 = arith.constant 1 : i32
      %eq3A_1183 = vector.broadcast %eq3A_1182 : i32 to vector<50x128xi32>
      %eq3A_1184 = arith.cmpi eq, %and3A_1181, %eq3A_1183 : vector<50x128xi32>
      %select_n3A_1185 = arith.select %eq3A_1184, %add3A_1178, %mul3A_1160 : vector<50x128xi1>, vector<50x128xf32>
      %and3A_1186 = arith.constant 2 : i32
      %and3A_1187 = vector.broadcast %and3A_1186 : i32 to vector<50x128xi32>
      %and3A_1188 = arith.andi %and3A_1140, %and3A_1187 : vector<50x128xi32>
      %shift_left3A_1189 = arith.constant 30 : i32
      %shift_left3A_1190 = vector.broadcast %shift_left3A_1189 : i32 to vector<50x128xi32>
      %shift_left3A_1191 = arith.shli %and3A_1188, %shift_left3A_1190 : vector<50x128xi32>
      %bitcast_convert_type3A_1192 = tpu.bitcast %select_n3A_1185 : vector<50x128xf32> -> vector<50x128xi32>
      %xor3A_1193 = arith.xori %bitcast_convert_type3A_1192, %shift_left3A_1191 : vector<50x128xi32>
      %bitcast_convert_type3A_1194 = tpu.bitcast %xor3A_1193 : vector<50x128xi32> -> vector<50x128xf32>
      %add3A_1195 = arith.addf %dot_general3A_1093, %bitcast_convert_type3A_1194 : vector<50x128xf32>
      %mul3A_1196 = arith.constant 16 : i32
      %mul3A_1197 = arith.muli %scan3A_42, %mul3A_1196 : i32
      %add3A_1198 = arith.constant 14 : i32
      %add3A_1199 = arith.addi %mul3A_1197, %add3A_1198 : i32
      %slice3A_1200 = vector.extract_strided_slice %add3A_1195 {offsets = [0, 0], sizes = [50, 64], strides = [1, 1]} : vector<50x128xf32> to vector<50x64xf32>
      %broadcast_in_dim3A_1201 = vector.shape_cast %slice3A_1200 : vector<50x64xf32> to vector<1x50x64xf32>
      %swap3A_1202 = arith.index_cast %add3A_1199 : i32 to index
      %swap3A_1203 = arith.constant 0 : index
      %swap3A_1204 = arith.constant 0 : index
      %swap3A_1205 = vector.load %arg5[%swap3A_1202, %swap3A_1203, %swap3A_1204] : memref<128x50x64xf32, #tpu.memory_space<vmem>>, vector<1x50x64xf32>
      tpu.vector_store %arg5[%swap3A_1202, %swap3A_1203, %swap3A_1204], %broadcast_in_dim3A_1201 {strides = array<i32>} : memref<128x50x64xf32, #tpu.memory_space<vmem>>, vector<1x50x64xf32>,
      %slice3A_1206 = vector.extract_strided_slice %add3A_1195 {offsets = [0, 64], sizes = [50, 64], strides = [1, 1]} : vector<50x128xf32> to vector<50x64xf32>
      %broadcast_in_dim3A_1207 = vector.shape_cast %slice3A_1206 : vector<50x64xf32> to vector<1x50x64xf32>
      %add3A_1208 = arith.constant 1 : i32
      %add3A_1209 = arith.addi %add3A_1199, %add3A_1208 : i32
      %swap3A_1210 = arith.index_cast %add3A_1209 : i32 to index
      %swap3A_1211 = arith.constant 0 : index
      %swap3A_1212 = arith.constant 0 : index
      %swap3A_1213 = vector.load %arg5[%swap3A_1210, %swap3A_1211, %swap3A_1212] : memref<128x50x64xf32, #tpu.memory_space<vmem>>, vector<1x50x64xf32>
      tpu.vector_store %arg5[%swap3A_1210, %swap3A_1211, %swap3A_1212], %broadcast_in_dim3A_1207 {strides = array<i32>} : memref<128x50x64xf32, #tpu.memory_space<vmem>>, vector<1x50x64xf32>,
    }
    %scan3A_41 = arith.constant 8 : i32
    return
  }
  func.func @transform_0(%arg0: i32) -> (i32, i32) {
    %c0_i32 = arith.constant 0 : i32
    %c0_i32_0 = arith.constant 0 : i32
    return %c0_i32, %arg0 : i32, i32
  }
  func.func @transform_1(%arg0: i32) -> (i32, i32) {
    %c0_i32 = arith.constant 0 : i32
    %c0_i32_0 = arith.constant 0 : i32
    return %c0_i32, %arg0 : i32, i32
  }
  func.func @transform_2(%arg0: i32) -> (i32, i32) {
    %c0_i32 = arith.constant 0 : i32
    %c0_i32_0 = arith.constant 0 : i32
    %c0_i32_1 = arith.constant 0 : i32
    return %c0_i32, %c0_i32_0 : i32, i32
  }
  func.func @transform_3(%arg0: i32) -> (i32, i32) {
    %c0_i32 = arith.constant 0 : i32
    %c0_i32_0 = arith.constant 0 : i32
    %c0_i32_1 = arith.constant 0 : i32
    return %c0_i32, %c0_i32_0 : i32, i32
  }
  func.func @transform_4(%arg0: i32) -> (i32, i32, i32) {
    %c0_i32 = arith.constant 0 : i32
    %c0_i32_0 = arith.constant 0 : i32
    %c0_i32_1 = arith.constant 0 : i32
    return %arg0, %c0_i32, %c0_i32_0 : i32, i32, i32
  }
}

</mosaic_0001>

<sc_bundles>
// kernel: kernel.4.cloned.1.call-start
scs
__scs_entry_jumppad:
0x0: {  	(pc) =	sbr.rel $0x88, $3  }
0x1: {  	(tag) =	ssettag $0x0;
	lr =	simm.s32 $0x1  }
0x2: {  	[smem:$0x3F9D] =	sst lr;
	_ =	strace $0xD0000000  }
0x3: {  	_ = 	snop  }
0x4: {  	_ = 	snop  }
0x5: {  	_ = 	snop  }
0x6: {  	_ = 	snop  }
0x7: {  	_ = 	snop  }
__scs_overlays_trampoline_lowered:
0x8: {  	[smem:$0x3FAC] =	sst s0  }
0x9: {  	[smem:$0x3FAD] =	sst s1  }
0xa: {  	[smem:$0x3FAE] =	sst s2  }
0xb: {  	[smem:$0x3FAF] =	sst s3  }
0xc: {  	[smem:$0x3FB0] =	sst s4  }
0xd: {  	[smem:$0x3FB1] =	sst s5  }
0xe: {  	[smem:$0x3FB2] =	sst s6  }
0xf: {  	[smem:$0x3FB3] =	sst s7  }
0x10: {  	[smem:$0x3FB4] =	sst s8  }
0x11: {  	[smem:$0x3FB5] =	sst s9;
	s0 =	simm.s32 @!p0 $0x0  }
0x12: {  	s1 =	sld [smem:$0x3F9B];
	s0 =	simm.s32 @p0 $0x1  }
0x13: {  	[smem:$0x3FB6] =	sst s0;
	s0 =	simm.s32 @!p1 $0x0  }
0x14: {  	s2 =	sld [smem:$0x3F9A];
	s0 =	simm.s32 @p1 $0x1  }
0x15: {  	[smem:$0x3FB7] =	sst s0;
	s0 =	simm.s32 @!p2 $0x0  }
0x16: {  	s3 =	sld [smem:$0x3FDB];
	s0 =	simm.s32 @p2 $0x1  }
0x17: {  	s4 =	simm.s32 $0x1BF5;
	[smem:$0x3FB9] =	sst s0  }
0x18: {  	s0 =	sld [smem:$0x3F9C];
	_ =	swait.ge [sflag:s4], $0x0  }
0x19: {  	s7 =	sld [smem:$0x3F9D]  }
0x1a: {  	s8 =	sadd.s32 $0xFFFFE003, lr  }
0x1b: {  	s9 =	sadd.s32 $0xFFFFFEF7, lr;
	s5 =	simm.s32 $0xFFFFFFFF;
	p2 =	slt.u32 s8, $0xFFFFF086  }
0x1c: {  	p1 =	slt.u32 s9, $0xF7A;
	s5 =	simm.s32 @!p2 $0x0  }
0x1d: {  	s5 =	simm.s32 @p1 $0x1;
	p0 =	seq.s32 s7, s2  }
0x1e: {  	s7 =	smul.u32 @!p0 $0xF7A, s2;
	p2 =	seq.s32 @!p0 s5, $0x0  }
0x1f: {  	s9 =	smul.u32 $0xF7A, s1;
	s8 =	simm.s32 @!p0 $0x1BF5;
	p2 =	por !p2, p0  }
0x20: {  	[sflag:s8] =	ssyncset.s32 @!p0 $0xFFFFF086;
	s6 =	sadd.s32 @!p0 s3, s7;
	s7 =	simm.s32 @!p0 $0x108  }
0x21: {  	s3 =	sadd.s32 s3, s9;
	s6 =	sadd.s32 @!p0 $0x88, s6;
	s7 =	simm.s32 @p2 $0x1082  }
0x22: {  	[simem:s7], [sflag:s8] =	dma.local @!p0 [hbm:s6], $0xF7A  }
0x23: {  	s9 =	sor.u32 $0xD0000000, s2;
	s6 =	simm.s32 $0x108;
	_ =	swait.ge @!p0 [sflag:s8], $0x0  }
0x24: {  	s3 =	sadd.s32 $0x88, s3;
	s6 =	simm.s32 @!p1 $0x1082;
	[sflag:s4] =	ssyncset.s32 $0xFFFFF086  }
0x25: {  	[simem:s6], [sflag:s4] =	dma.local [hbm:s3], $0xF7A  }
0x26: {  	[smem:$0x3F9D] =	sst s1;
	(tag) =	ssettag s2;
	_ =	strace s9  }
0x27: {  	s1 =	sld [smem:$0x3FAD]  }
0x28: {  	s2 =	sld [smem:$0x3FAE]  }
0x29: {  	s4 =	sld [smem:$0x3FB0]  }
0x2a: {  	p0 =	seq.s32 s5, $0x0;
	s5 =	sld [smem:$0x3FB1]  }
0x2b: {  	s6 =	sld [smem:$0x3FB2]  }
0x2c: {  	s7 =	sld [smem:$0x3FB3]  }
0x2d: {  	s3 =	simm.s32 $0x108;
	s8 =	sld [smem:$0x3FB4]  }
0x2e: {  	s3 =	simm.s32 @!p0 $0x1082;
	s9 =	sld [smem:$0x3FB5]  }
0x2f: {  	lr =	sadd.s32 s0, s3;
	s0 =	sld [smem:$0x3FAC]  }
0x30: {  	s3 =	sld [smem:$0x3FAF]  }
0x31: {  	[smem:$0x3FB8] =	sst s10  }
0x32: {  	s10 =	sld [smem:$0x3FB6];
	_ =	sdelay $0x3  }
0x33: {  	p0 =	seq.s32 s10, $0x1;
	s10 =	sld [smem:$0x3FB8];
	_ =	sdelay $0x3  }
0x34: {  	[smem:$0x3FB8] =	sst s10  }
0x35: {  	s10 =	sld [smem:$0x3FB7];
	_ =	sdelay $0x3  }
0x36: {  	p1 =	seq.s32 s10, $0x1;
	s10 =	sld [smem:$0x3FB8];
	_ =	sdelay $0x3  }
0x37: {  	[smem:$0x3FB8] =	sst s10  }
0x38: {  	s10 =	sld [smem:$0x3FB9]  }
0x39: {  	_ = 	snop;
	(pc) =	sbr.ind lr, $3  }
0x3a: {  	_ = 	snop  }
0x3b: {  	_ = 	snop  }
0x3c: {  	p2 =	seq.s32 s10, $0x1;
	s10 =	sld [smem:$0x3FB8]  }
0x3d: {  	_ =	shalt  }
0x3e: {  	_ =	shalt  }
0x3f: {  	_ =	shalt  }
0x40: {  	_ =	shalt  }
0x41: {  	_ =	shalt  }
0x42: {  	_ =	shalt  }
0x43: {  	_ =	shalt  }
0x44: {  	_ =	shalt  }
0x45: {  	_ =	shalt  }
0x46: {  	_ =	shalt  }
0x47: {  	_ =	shalt  }
0x48: {  	_ =	shalt  }
0x49: {  	_ =	shalt  }
0x4a: {  	_ =	shalt  }
0x4b: {  	_ =	shalt  }
0x4c: {  	_ =	shalt  }
0x4d: {  	_ =	shalt  }
0x4e: {  	_ =	shalt  }
0x4f: {  	_ =	shalt  }
0x50: {  	_ =	shalt  }
0x51: {  	_ =	shalt  }
0x52: {  	_ =	shalt  }
0x53: {  	_ =	shalt  }
0x54: {  	_ =	shalt  }
0x55: {  	_ =	shalt  }
0x56: {  	_ =	shalt  }
0x57: {  	_ =	shalt  }
0x58: {  	_ =	shalt  }
0x59: {  	_ =	shalt  }
0x5a: {  	_ =	shalt  }
0x5b: {  	_ =	shalt  }
0x5c: {  	_ =	shalt  }
0x5d: {  	_ =	shalt  }
0x5e: {  	_ =	shalt  }
0x5f: {  	_ =	shalt  }
0x60: {  	_ =	shalt  }
0x61: {  	_ =	shalt  }
0x62: {  	_ =	shalt  }
0x63: {  	_ =	shalt  }
0x64: {  	_ =	shalt  }
0x65: {  	_ =	shalt  }
0x66: {  	_ =	shalt  }
0x67: {  	_ =	shalt  }
0x68: {  	_ =	shalt  }
0x69: {  	_ =	shalt  }
0x6a: {  	_ =	shalt  }
0x6b: {  	_ =	shalt  }
0x6c: {  	_ =	shalt  }
0x6d: {  	_ =	shalt  }
0x6e: {  	_ =	shalt  }
0x6f: {  	_ =	shalt  }
0x70: {  	_ =	shalt  }
0x71: {  	_ =	shalt  }
0x72: {  	_ =	shalt  }
0x73: {  	_ =	shalt  }
0x74: {  	_ =	shalt  }
0x75: {  	_ =	shalt  }
0x76: {  	_ =	shalt  }
0x77: {  	_ =	shalt  }
0x78: {  	_ =	shalt  }
0x79: {  	_ =	shalt  }
0x7a: {  	_ =	shalt  }
0x7b: {  	_ =	shalt  }
0x7c: {  	_ =	shalt  }
0x7d: {  	_ =	shalt  }
0x7e: {  	_ =	shalt  }
0x7f: {  	_ =	shalt  }
0x80: {  	_ =	shalt  }
0x81: {  	_ =	shalt  }
0x82: {  	_ =	shalt  }
0x83: {  	_ =	shalt  }
0x84: {  	_ =	shalt  }
0x85: {  	_ =	shalt  }
0x86: {  	_ =	shalt  }
0x87: {  	_ =	shalt  }
.Lfunc_end0:
.L_simem_size_0:
called_computation_lowered:
.L_overlay_start_0:
0x88: {  	s2 =	sld [smem:$0x3FD9]  }
0x89: {  	s3 =	sld [smem:$0x3FFE];
	_ =	sdelay $0x1  }
0x8a: {  	s1 =	srdreg.scid  }
0x8b: {  	s0 =	sand.u32 $0x1, s1  }
0x8c: {  	s17 =	sshll.u32 s0, $0xA;
	s2 =	sadd.s32 s3, s2  }
0x8d: {  	s2 =	sadd.s32 s2, s17  }
0x8e: {  	[smem:$0x3FC4] =	sst s2  }
0x8f: {  	_ = 	snop  }
0x90: {  	s2 =	sld [smem:$0x3FC8]  }
0x91: {  	s18 =	sld [smem:$0x3FC7]  }
0x92: {  	s4 =	sld [smem:$0x3FD0];
	(tm) =	ssettm $0x1  }
0x93: {  	s5 =	sld [smem:$0x3FFB];
	_ =	sdelay $0x3  }
0x94: {  	_ =	strace s5  }
0x95: {  	s5 =	sld [smem:$0x3FFC];
	_ =	sdelay $0x3  }
0x96: {  	_ =	strace s5  }
0x97: {  	s5 =	sld [smem:$0x3FFD];
	_ =	sdelay $0x3  }
0x98: {  	_ =	strace s5  }
0x99: {  	_ =	strace $0x8FFFFFFF  }
0x9a: {  	s19 =	sld [smem:$0x3FDB];
	_ =	sdelay $0x1  }
0x9b: {  	s6 =	simm.s32 $_scs_section_size  }
0x9c: {  	s7 =	simm.s32 $_size__tile_overlayer_lowered;
	s8 =	simm.s32 $_tile_overlayer_lowered  }
0x9d: {  	s22 =	simm.s32 $0x1BFF;
	s21 =	sshll.u32 s8, $0x1;
	s5 =	sadd.s32 s6, s19  }
0x9e: {  	s9 =	simm.s32 $0x0;
	s20 =	sshll.u32 s7, $0x1;
	s7 =	sadd.s32 s21, s5  }
0x9f: {  	[timem:s9], [sflag:s22] =	dma.local [hbm:s7], s20  }
0xa0: {  	_ =	swait.ge [sflag:s22], s20  }
0xa1: {  	s6 =	ssub.s32 $0x0, s20;
	[sflag:s22] =	ssyncset.done $0x0  }
0xa2: {  	[sflag:s22] =	ssyncadd.s32 s6;
	_ =	sdelay $0x1  }
0xa3: {  	s23 =	simm.s32 $0x1B8B  }
0xa4: {  	_ =	swait.ge [sflag:s23], $0x1  }
0xa5: {  	[sflag:s23] =	ssyncset.done $0x0  }
0xa6: {  	s25 =	simm.s32 $0x1B8E;
	s24 =	sld [smem:$0x3FFE];
	[sflag:s23] =	ssyncadd.s32 $0xFFFFFFFF  }
0xa7: {  	s26 =	simm.s32 $execute0_lowered;
	[smem:$0x3FD2] =	sst s25  }
0xa8: {  	s7 =	sshll.u32 s26, $0x1;
	_ =	strace $0x80000046;
	[dreg:$0x1] =	wrdreg $0xFFFFFFFF  }
0xa9: {  	s28 =	simm.s32 $_size_execute0_lowered;
	s5 =	sadd.s32 s5, s7;
	[dreg:$0x0] =	wrdreg $0x0  }
0xaa: {  	s7 =	sshll.u32 s28, $0x1;
	[dreg:$0x2] =	wrdreg s5  }
0xab: {  	[dreg:$0x3] =	wrdreg s7  }
0xac: {  	[dreg:$0x4] =	wrdreg $0xC0  }
0xad: {  	_ =	task [dreg:s9], $0x5FFFF  }
0xae: {  	[dreg:$0x1] =	wrdreg $0xFFFFFFFF  }
0xaf: {  	[dreg:$0x0] =	wrdreg $0x60  }
0xb0: {  	[dreg:$0x2] =	wrdreg s4  }
0xb1: {  	[dreg:$0x3] =	wrdreg s2  }
0xb2: {  	[dreg:$0x4] =	wrdreg s18  }
0xb3: {  	[dreg:$0x5] =	wrdreg s24  }
0xb4: {  	[dreg:$0x6] =	wrdreg $0x9  }
0xb5: {  	_ =	task.clear_ibuf [dreg:s9], $0x7FFFF;
	_ =	strace $0x90000046  }
0xb6: {  	s29 =	simm.s32 $0x9;
	_ =	strace $0x80000048  }
0xb7: {  	_ =	swait.ge [sflag:s29], $0x1  }
0xb8: {  	[sflag:s29] =	ssyncadd.s32 $0xFFFFFFFF  }
0xb9: {  	_ =	strace $0x90000048  }
0xba: {  	_ =	sfence  }
0xbb: {  	s30 =	sld [smem:$0x0];
	_ =	sdelay $0x2  }
0xbc: {  	s31 =	sshll.u32 s1, $0xD;
	s1 =	sshrl.u32 s1, $0x2  }
0xbd: {  	s3 =	sand.u32 $0x4000, s31;
	s1 =	sadd.s32 s1, s30  }
0xbe: {  	s0 =	sor.u32 s3, s0;
	s1 =	sshll.u32 s1, $0x11  }
0xbf: {  	s0 =	sor.u32 s1, s0  }
0xc0: {  	s0 =	sadd.s32 $0x8F2B, s0  }
0xc1: {  	[sflag:s0] =	ssyncadd.remote.s32 $0x1  }
0xc2: {  	_ =	sfence.sel $0xFFFF  }
0xc3: {  	[dreg:$0x0] =	wrdreg $0xFFFFFFFF;
	(pc) =	sbr.abs _section_cstart, $3  }
0xc4: {  	[dreg:$0x1] =	wrdreg $0xFFFFFFFF  }
0xc5: {  	_ =	task.clear_ibuf [dreg:s9], $0x2FFFF;
	_ =	strace $0x9FFFFFFF  }
0xc6: {  	(tm) =	ssettm $0x7FFFFFFF  }
0xc7: {  	_ =	shalt  }
tec
execute0_lowered:
.L_overlay_start_1:
0x0: {  	(tag) =	ssettag $0x1  }
0x1: {  	s5 =	rddreg [dreg:$0x0]  }
0x2: {  	s1 =	rddreg [dreg:$0x1]  }
0x3: {  	s2 =	srdreg.scid;
	s0 =	stileid.u32  }
0x4: {  	s3 =	rddreg [dreg:$0x2];
	s11 =	sand.u32 $0x1, s2;
	s30 =	sshll.u32 s0, $0x1  }
0x5: {  	s12 =	rddreg [dreg:$0x3];
	s6 =	sor.u32 s11, s30  }
0x6: {  	s4 =	simm.s32 $0x0;
	s2 =	rddreg [dreg:$0x4];
	s13 =	smul.u32 $0x320, s6  }
0x7: {  	[smem:$0x7FF] =	sst s4  }
0x8: {  	_ =	strace $0x80000047;
	s6 =	sadd.s32 s5, s13;
	s5 =	simm.s32 $0x3  }
0x9: {  	[tilespmem:s4], [sflag:$0x3] =	stream.linear.gather [hbm4b:s6+s4], $0x1900, $0x38;
	[tilespmem:$0x4B00] =	vst v63  }
0xa: {  	_ =	swait.ge [sflag:s5], $0x1900  }
0xb: {  	[sflag:s5] =	ssyncset.done $0x0  }
0xc: {  	s7 =	simm.s32 $0x1900;
	[sflag:s5] =	ssyncadd.s32 $0xFFFFE700  }
0xd: {  	[tilespmem:s7], [sflag:$0x1] =	stream.indirect.gather [hbm4b:s1+s7], $0x1, s4, s7, $0xb8;
	[tilespmem:$0x4B00] =	vst v63  }
0xe: {  	s8 =	simm.s32 $0x3200;
	s9 =	simm.s32 $0x1  }
0xf: {  	[tilespmem:s8], [sflag:$0x2] =	stream.indirect.gather [hbm4b:s3+s7], $0x1, s4, s7, $0xb8;
	[tilespmem:$0x4B00] =	vst v63  }
0x10: {  	_ =	swait.ge [sflag:s9], $0x1900  }
0x11: {  	[sflag:s9] =	ssyncset.done $0x0  }
0x12: {  	s10 =	simm.s32 $0x2;
	s31 =	ssub.s32 $0x2, s11;
	[sflag:s9] =	ssyncadd.s32 $0xFFFFE700  }
0x13: {  	s14 =	sshrl.u32 s31, $0x1;
	_ =	swait.ge [sflag:s10], $0x1900  }
0x14: {  	s12 =	sadd.s32 s13, s12;
	s13 =	ssub.s32 s31, s14;
	[sflag:s10] =	ssyncset.done $0x0  }
0x15: {  	s11 =	sadd.s32 $0x800, s12;
	s13 =	smax.u32 s13, $0x1;
	[sflag:s10] =	ssyncadd.s32 $0xFFFFE700  }
0x16: {  	[hbm4b:s11+s4] =	stream.linear.scatter [tilespmem:s7], [sflag:$0x3], $0x1900, $0x38;
	[tilespmem:$0x4B00] =	vst v63  }
0x17: {  	p0 =	sne.s32 s13, $0x1;
	_ =	swait.ge [sflag:s5], $0x1900  }
.Ltmp0:
0x18: {  	[sflag:s5] =	ssyncset.done $0x0;
	(pc) =	sbr.rel @!p0 .LBB2_2-.Ltmp0, $4  }
0x19: {  	s12 =	sadd.s32 $0x6C00, s12;
	[sflag:s5] =	ssyncadd.s32 $0xFFFFE700  }
0x1a: {  	[hbm4b:s12+s4] =	stream.linear.scatter [tilespmem:s8], [sflag:$0x3], $0x1900, $0x38;
	[tilespmem:$0x4B00] =	vst v63  }
0x1b: {  	_ =	swait.ge [sflag:s5], $0x1900  }
0x1c: {  	s13 =	sadd.s32 $0xFFFFFFFF, s13;
	[sflag:s5] =	ssyncset.done $0x0  }
.LBB2_1:
0x1d: {  	p0 =	sne.s32 s13, $0x1;
	s13 =	sadd.s32 $0xFFFFFFFF, s13;
	[sflag:s5] =	ssyncadd.s32 $0xFFFFE700  }
0x1e: {  	[tilespmem:s4], [sflag:$0x3] =	stream.linear.gather [hbm4b:s6+s4], $0x1900, $0x38;
	[tilespmem:$0x4B00] =	vst v63  }
0x1f: {  	_ =	swait.ge [sflag:s5], $0x1900  }
0x20: {  	[sflag:s5] =	ssyncset.done $0x0  }
0x21: {  	[sflag:s5] =	ssyncadd.s32 $0xFFFFE700  }
0x22: {  	[tilespmem:s7], [sflag:$0x1] =	stream.indirect.gather [hbm4b:s1+s7], $0x1, s4, s7, $0xb8;
	[tilespmem:$0x4B00] =	vst v63  }
0x23: {  	_ = 	snop  }
0x24: {  	[tilespmem:s8], [sflag:$0x2] =	stream.indirect.gather [hbm4b:s3+s7], $0x1, s4, s7, $0xb8;
	[tilespmem:$0x4B00] =	vst v63  }
0x25: {  	_ =	swait.ge [sflag:s9], $0x1900  }
0x26: {  	[sflag:s9] =	ssyncset.done $0x0  }
0x27: {  	[sflag:s9] =	ssyncadd.s32 $0xFFFFE700  }
0x28: {  	_ =	swait.ge [sflag:s10], $0x1900  }
0x29: {  	[sflag:s10] =	ssyncset.done $0x0  }
0x2a: {  	[sflag:s10] =	ssyncadd.s32 $0xFFFFE700  }
0x2b: {  	[hbm4b:s11+s4] =	stream.linear.scatter [tilespmem:s7], [sflag:$0x3], $0x1900, $0x38;
	[tilespmem:$0x4B00] =	vst v63  }
0x2c: {  	_ =	swait.ge [sflag:s5], $0x1900  }
.Ltmp1:
0x2d: {  	[sflag:s5] =	ssyncset.done $0x0;
	(pc) =	sbr.rel @p0 .LBB2_1-.Ltmp1, $4  }
0x2e: {  	[sflag:s5] =	ssyncadd.s32 $0xFFFFE700  }
0x2f: {  	[hbm4b:s12+s4] =	stream.linear.scatter [tilespmem:s8], [sflag:$0x3], $0x1900, $0x38;
	[tilespmem:$0x4B00] =	vst v63  }
0x30: {  	_ =	swait.ge [sflag:s5], $0x1900  }
0x31: {  	[sflag:s5] =	ssyncset.done $0x0  }
.LBB2_2:
0x32: {  	[sflag:s5] =	ssyncadd.s32 $0xFFFFE700  }
0x33: {  	_ =	sfence.sel $0x180000  }
0x34: {  	[bflag:$0x0] =	sbarrier.arrive $0xFFFF  }
0x35: {  	p0 =	sne.s32 s0, $0x0;
	_ =	strace $0x90000047  }
0x36: {  	s0 =	sadd.s32 @!p0 $0x100000, s2;
	[bflag:$0x2] =	sbarrier.arrive $0xFFFF  }
0x37: {  	[sflag:s0] =	ssyncadd.tile.s32 @!p0 $0x1;
	_ =	shalt  }
.Lfunc_end2:
_tile_overlayer_lowered:
.L_overlay_start_2:
0x38: {  	(tag) =	ssettag $0x2  }
0x39: {  	s0 =	rddreg [dreg:$0x0];
	s2 =	stileid.u32  }
0x3a: {  	s1 =	rddreg [dreg:$0x1];
	p0 =	sne.s32 s2, $0x0  }
0x3b: {  	s3 =	rddreg [dreg:$0x2];
	[bflag:$0x3] =	sbarrier.arrive $0xFFFF;
	s2 =	simm.s32 @!p0 $0x1C03  }
0x3c: {  	[timem:s3], [sflag:s2] =	dma.local @!p0 [hbm:s0], s1  }
0x3d: {  	s0 =	simm.s32 @!p0 $0x3  }
0x3e: {  	_ =	swait.ge @!p0 [sflag:s0], s1  }
0x3f: {  	s1 =	ssub.s32 @!p0 $0x0, s1;
	[sflag:s0] =	ssyncset.done @!p0 $0x0  }
0x40: {  	[sflag:s0] =	ssyncadd.s32 @!p0 s1  }
0x41: {  	[bflag:$0x3] =	sbarrier.arrive $0xFFFF  }
0x42: {  	_ =	shalt  }

</sc_bundles>
